<compile_context>
chip_gen: v7x
topology: tpu7x:2x2x1
jax: 0.10.2.dev20260603
libtpu: 0.0.44.dev20260713+nightly
codegen_flags: <defaults>
</compile_context>

<pallas_src>
import functools

import jax
import jax.numpy as jnp
from jax import lax
from jax.experimental import pallas as pl
from jax.experimental.pallas import tpu as pltpu
from jax.experimental.pallas import tpu_sc as plsc

_NC = 2
_NS = 16
_CH = 128
_NB = 3


def _pick_rows(n):
    for r in (1000, 500, 250, 200, 125, 100, 50, 40, 25, 20, 10, 8):
        if n % r == 0:
            return r
    return n



def _ln_split_body(x_ref, g_ref, b_ref, o_ref):
    x = x_ref[...]
    mu = jnp.mean(x, axis=-1, keepdims=True)
    var = jnp.mean((x - mu) ** 2, axis=-1, keepdims=True)
    h = (x - mu) * lax.rsqrt(var + 1e-5) * g_ref[...] + b_ref[...]
    d2 = x.shape[-1] // 2
    o_ref[0] = h[:, :d2]
    o_ref[1] = h[:, d2:]


def _layernorm_split(x, g, b):
    n, d = x.shape
    r = _pick_rows(n)
    return pl.pallas_call(
        _ln_split_body,
        grid=(n // r,),
        in_specs=[
            pl.BlockSpec((r, d), lambda i: (i, 0)),
            pl.BlockSpec((1, d), lambda i: (0, 0)),
            pl.BlockSpec((1, d), lambda i: (0, 0)),
        ],
        out_specs=pl.BlockSpec((2, r, d // 2), lambda i: (0, i, 0)),
        out_shape=jax.ShapeDtypeStruct((2, n, d // 2), jnp.float32),
    )(x, g.reshape(1, d), b.reshape(1, d))



def _sc_aggregate(hsplit, ei3, n, n_pad):
    d2 = hsplit.shape[2]
    erows = ei3.shape[1]
    rpw = -(-erows // _NS)
    last = erows - rpw * (_NS - 1)
    steps = ((rpw + _NB - 1) // _NB) * _NB
    rps = n_pad // _NS
    mesh = plsc.VectorSubcoreMesh(core_axis_name="c", subcore_axis_name="s")

    @functools.partial(
        pl.kernel,
        out_type=[
            jax.ShapeDtypeStruct((n_pad, _NC * d2), jnp.float32),
            jax.ShapeDtypeStruct((_NC, n_pad // 128, 128), jnp.float32),
        ],
        mesh=mesh,
        scratch_types=[
            pltpu.VMEM((steps, _CH), jnp.int32),
            pltpu.VMEM((steps, _CH), jnp.int32),
            pltpu.VMEM((_NB, _CH, d2), jnp.float32),
            pltpu.VMEM((32, d2), jnp.float32),
            pltpu.VMEM((n_pad // 128, 128), jnp.float32),
            pltpu.VMEM((n_pad // 128,), jnp.int32),
            pltpu.VMEM_SHARED((n_pad, d2), jnp.float32),
            pltpu.VMEM_SHARED((n_pad // 128, 128), jnp.float32),
        ] + [pltpu.SemaphoreType.DMA] * (2 * _NB),
        compiler_params=pltpu.CompilerParams(use_tc_tiling_on_sc=False,
                                             needs_layout_passes=False),
    )
    def agg(h_hbm, ei_hbm, sums_out, cnt_out,
            sidx, didx, rows, z_d, cnt_t, idv, acc, accc2, *sems):
        gsem = sems[:_NB]
        ssem = sems[_NB:2 * _NB]
        cid = lax.axis_index("c")
        sid = lax.axis_index("s")

        row0 = sid * rpw
        nrows = jnp.where(sid == _NS - 1, last, rpw)

        @pl.when(sid == _NS - 1)
        def _():
            pltpu.async_copy(ei_hbm.at[0, pl.ds(row0, last)],
                             sidx.at[pl.ds(0, last)], gsem[0])
            pltpu.async_copy(ei_hbm.at[1, pl.ds(row0, last)],
                             didx.at[pl.ds(0, last)], gsem[1])

        @pl.when(sid != _NS - 1)
        def _():
            pltpu.async_copy(ei_hbm.at[0, pl.ds(row0, rpw)],
                             sidx.at[pl.ds(0, rpw)], gsem[0])
            pltpu.async_copy(ei_hbm.at[1, pl.ds(row0, rpw)],
                             didx.at[pl.ds(0, rpw)], gsem[1])

        @pl.loop(0, 32)
        def _(r):
            @pl.loop(0, d2, step=16)
            def _(c0):
                z_d[r, pl.ds(c0, 16)] = jnp.zeros((16,), jnp.float32)

        @pl.loop(0, n_pad // 128)
        def _(r):
            @pl.loop(0, 128, step=16)
            def _(c0):
                cnt_t[r, pl.ds(c0, 16)] = jnp.zeros((16,), jnp.float32)

        for i in range(n_pad // 128 // 16):
            idv[pl.ds(i * 16, 16)] = lax.iota(jnp.int32, 16) + (i * 16)

        base = sid * rps

        @pl.loop(0, rps, step=32)
        def _(r0):
            pltpu.async_copy(z_d, acc.at[pl.ds(base + r0, 32)], ssem[0])

        r5 = n_pad // 128 // _NS
        pltpu.async_copy(cnt_t.at[pl.ds(sid * r5, r5)],
                         accc2.at[pl.ds(sid * r5, r5)], ssem[1])

        @pl.when(sid == _NS - 1)
        def _():
            pltpu.make_async_copy(ei_hbm.at[0, pl.ds(0, last)],
                                  sidx.at[pl.ds(0, last)], gsem[0]).wait()
            pltpu.make_async_copy(ei_hbm.at[1, pl.ds(0, last)],
                                  didx.at[pl.ds(0, last)], gsem[1]).wait()

        @pl.when(sid != _NS - 1)
        def _():
            pltpu.make_async_copy(ei_hbm.at[0, pl.ds(0, rpw)],
                                  sidx.at[pl.ds(0, rpw)], gsem[0]).wait()
            pltpu.make_async_copy(ei_hbm.at[1, pl.ds(0, rpw)],
                                  didx.at[pl.ds(0, rpw)], gsem[1]).wait()

        @pl.loop(0, steps - last)
        def _(i):
            r = nrows + i

            @pl.when(r < steps)
            def _():
                @pl.loop(0, _CH, step=16)
                def _(c0):
                    sidx[r, pl.ds(c0, 16)] = jnp.zeros((16,), jnp.int32)
                    didx[r, pl.ds(c0, 16)] = jnp.full((16,), n, jnp.int32)

        h_pl = h_hbm.at[cid]

        for b in range(_NB):
            pltpu.async_copy(h_pl.at[sidx.at[b]], rows.at[b], gsem[b])

        @pl.loop(0, rps // 32)
        def _(i):
            pltpu.make_async_copy(z_d, acc.at[pl.ds(base, 32)],
                                  ssem[0]).wait()

        r5 = n_pad // 128 // _NS
        pltpu.make_async_copy(cnt_t.at[pl.ds(0, r5)],
                              accc2.at[pl.ds(0, r5)], ssem[1]).wait()

        plsc.subcore_barrier()

        half = steps // 2

        @pl.loop(0, steps, step=_NB)
        def _(j):
            for b in range(_NB):
                k = j + b
                pltpu.make_async_copy(
                    h_pl.at[sidx.at[k]], rows.at[b], gsem[b]).wait()
                pltpu.async_copy(rows.at[b], acc.at[didx.at[k]], ssem[b],
                                 add=True)

                @pl.when((k < half) == (cid == 0))
                def _():
                    for c0 in range(0, _CH, 16):
                        iv = didx[k, pl.ds(c0, 16)]
                        plsc.addupdate_scatter(
                            cnt_t,
                            [lax.shift_right_logical(iv, 7),
                             lax.bitwise_and(iv, 127)],
                            jnp.ones((16,), jnp.float32))

                pb = (b - 1) % _NB
                kp = k - 1

                @pl.when((kp >= 0) & (kp + _NB < steps))
                def _():
                    pltpu.make_async_copy(
                        rows.at[pb], acc.at[didx.at[kp]], ssem[pb]).wait()
                    pltpu.async_copy(
                        h_pl.at[sidx.at[kp + _NB]], rows.at[pb], gsem[pb])

        for b in range(_NB):
            pltpu.make_async_copy(rows.at[b], acc.at[didx.at[0]],
                                  ssem[b]).wait()

        pltpu.sync_copy(cnt_t, accc2.at[idv], add=True)

        plsc.subcore_barrier()

        pltpu.sync_copy(acc.at[pl.ds(base, rps)],
                        sums_out.at[pl.ds(base, rps),
                                    pl.ds(cid * d2, d2)])
        pltpu.sync_copy(accc2.at[pl.ds(sid * r5, r5)],
                        cnt_out.at[cid, pl.ds(sid * r5, r5)])

    return agg(hsplit, ei3)



def _dot(a, b):
    return jnp.dot(a, b, preferred_element_type=jnp.float32)


def _self_body(h_ref, ws_ref, bs_ref, o_ref):
    h = jnp.concatenate([h_ref[0], h_ref[1]], axis=-1)
    nh = ws_ref.shape[0]
    d = h.shape[-1]
    for i in range(nh):
        o_ref[:, i * d:(i + 1) * d] = _dot(h, ws_ref[i]) + bs_ref[i]


def _self_cat(hsplit, w_self, b_sage):
    _, n, d2 = hsplit.shape
    nh, d, _ = w_self.shape
    r = _pick_rows(n)
    full = lambda shape: pl.BlockSpec(shape, lambda i: tuple(0 for _ in shape))
    return pl.pallas_call(
        _self_body,
        grid=(n // r,),
        in_specs=[
            pl.BlockSpec((_NC, r, d2), lambda i: (0, i, 0)),
            full((nh, d, d)), full((nh, d)),
        ],
        out_specs=pl.BlockSpec((r, nh * d), lambda i: (i, 0)),
        out_shape=jax.ShapeDtypeStruct((n, nh * d), jnp.float32),
    )(hsplit, w_self, b_sage)


def _tail_body(x_ref, selfcat_ref, sums_ref, cnt_ref, wn_ref,
               wfc_ref, bfc_ref, w1_ref, b1_ref, w2_ref, b2_ref,
               g2_ref, be2_ref, o_ref):
    x = x_ref[...]
    cnt = cnt_ref[...]
    h_neigh = sums_ref[...] / jnp.maximum(cnt, 1.0)
    nh = wn_ref.shape[0]
    d = x.shape[-1]
    gnn = bfc_ref[...]
    for i in range(nh):
        ci = selfcat_ref[:, i * d:(i + 1) * d] + _dot(h_neigh, wn_ref[i])
        gnn = gnn + _dot(jnp.maximum(ci, 0.0),
                         wfc_ref[pl.ds(i * d, d), :])
    x1 = x + gnn
    mu = jnp.mean(x1, axis=-1, keepdims=True)
    var = jnp.mean((x1 - mu) ** 2, axis=-1, keepdims=True)
    h2 = (x1 - mu) * lax.rsqrt(var + 1e-5) * g2_ref[...] + be2_ref[...]
    ffn = _dot(jnp.maximum(_dot(h2, w1_ref[...]) + b1_ref[...], 0.0),
               w2_ref[...]) + b2_ref[...]
    o_ref[...] = x1 + ffn


def _tail(x, selfcat, sums2, cnt2, w_neigh, wfc, bfc,
          w1, b1, w2, b2, g2, be2):
    n, d = x.shape
    nh = w_neigh.shape[0]
    hd = nh * d
    r = 1280
    full = lambda shape: pl.BlockSpec(shape, lambda i: tuple(0 for _ in shape))
    return pl.pallas_call(
        _tail_body,
        grid=(-(-n // r),),
        in_specs=[
            pl.BlockSpec((r, d), lambda i: (i, 0)),
            pl.BlockSpec((r, hd), lambda i: (i, 0)),
            pl.BlockSpec((r, d), lambda i: (i, 0)),
            pl.BlockSpec((r, 1), lambda i: (i, 0)),
            full((nh, d, d)),
            full((hd, d)), full((1, d)),
            full((d, d)), full((1, d)),
            full((d, d)), full((1, d)),
            full((1, d)), full((1, d)),
        ],
        out_specs=pl.BlockSpec((r, d), lambda i: (i, 0)),
        out_shape=jax.ShapeDtypeStruct((n, d), jnp.float32),
    )(x, selfcat, sums2, cnt2, w_neigh, wfc, bfc,
      w1, b1, w2, b2, g2, be2)



def kernel(x, edge_index, W_self, W_neigh, b_sage, W_fc, b_fc,
           W1, b1, W2, b2, g1, be1, g2, be2):
    n, d = x.shape
    e = edge_index.shape[1]
    n_pad = -(-(n + 1) // (_NS * 32)) * (_NS * 32)

    ei3 = edge_index.reshape(2, e // _CH, _CH)

    hsplit = _layernorm_split(x, g1, be1)
    sums2, cnt2 = _sc_aggregate(hsplit, ei3, n, n_pad)
    cntcol = (cnt2[0] + cnt2[1]).reshape(n_pad, 1)
    selfcat = _self_cat(hsplit, W_self, b_sage)

    return _tail(x, selfcat, sums2, cntcol, W_neigh,
                 W_fc, b_fc.reshape(1, d), W1, b1.reshape(1, d),
                 W2, b2.reshape(1, d), g2.reshape(1, d), be2.reshape(1, d))

# --- scband reference (transcript-rebuilt; emitter-appended) ---
"""Pipeline reference for scband-graph-transformer-layer-33457795236066 (READ-ONLY COPY).

The authoritative reference and input builder live on the scoring server;
editing this copy changes nothing except your own understanding.
"""

import jax, jax.numpy as jnp
import numpy as np

N = 10000
E = 320000
D = 128
H = 4


def layernorm(x, g, b):
    mu = jnp.mean(x, axis=-1, keepdims=True)
    var = jnp.mean((x - mu) ** 2, axis=-1, keepdims=True)
    return (x - mu) / jnp.sqrt(var + 1e-5) * g + b


def setup_inputs(seed: int = 0) -> dict:
    key = jax.random.key(seed)
    ks = jax.random.split(key, 12)
    s = 0.05
    x = jax.random.normal(ks[0], (N, D), dtype=jnp.float32)
    edge_index = jax.random.randint(ks[1], (2, E), 0, N, dtype=jnp.int32)
    W_self = jax.random.normal(ks[2], (H, D, D), dtype=jnp.float32) * s
    W_neigh = jax.random.normal(ks[3], (H, D, D), dtype=jnp.float32) * s
    b_sage = jax.random.normal(ks[4], (H, D), dtype=jnp.float32) * s
    W_fc = jax.random.normal(ks[5], (H * D, D), dtype=jnp.float32) * s
    b_fc = jax.random.normal(ks[6], (D,), dtype=jnp.float32) * s
    W1 = jax.random.normal(ks[7], (D, D), dtype=jnp.float32) * s
    b1 = jax.random.normal(ks[8], (D,), dtype=jnp.float32) * s
    W2 = jax.random.normal(ks[9], (D, D), dtype=jnp.float32) * s
    b2 = jax.random.normal(ks[10], (D,), dtype=jnp.float32) * s
    g1 = jnp.ones((D,), dtype=jnp.float32)
    be1 = jnp.zeros((D,), dtype=jnp.float32)
    g2 = jnp.ones((D,), dtype=jnp.float32)
    be2 = jnp.zeros((D,), dtype=jnp.float32)
    return {"x": x, "edge_index": edge_index, "W_self": W_self, "W_neigh": W_neigh,
            "b_sage": b_sage, "W_fc": W_fc, "b_fc": b_fc, "W1": W1, "b1": b1,
            "W2": W2, "b2": b2, "g1": g1, "be1": be1, "g2": g2, "be2": be2}


def reference(x, edge_index, W_self, W_neigh, b_sage, W_fc, b_fc, W1, b1, W2, b2, g1, be1, g2, be2):
    src = edge_index[0]
    dst = edge_index[1]
    # --- gnn block (pre-norm) ---
    h = layernorm(x, g1, be1)
    # SAGEConv 'mean' aggregation: mean of source-node features over in-edges of dst
    gathered = h[src]  # [E, D] gather
    sums = jax.ops.segment_sum(gathered, dst, num_segments=N)  # [N, D] scatter-add
    cnt = jax.ops.segment_sum(jnp.ones((E, 1), dtype=jnp.float32), dst, num_segments=N)
    h_neigh = sums / jnp.maximum(cnt, 1.0)
    heads = []
    for i in range(H):
        heads.append(h @ W_self[i] + h_neigh @ W_neigh[i] + b_sage[i])
    cat = jnp.concatenate(heads, axis=1)  # [N, H*D]
    gnn_out = jax.nn.relu(cat) @ W_fc + b_fc  # dropout = identity (eval)
    x = x + gnn_out
    # --- ffd block (pre-norm) ---
    h2 = layernorm(x, g2, be2)
    ffn = jax.nn.relu(h2 @ W1 + b1) @ W2 + b2
    return x + ffn

if __name__ == "__main__":
    import jax
    _d = setup_inputs()
    print(jax.jit(kernel)(*tuple(_d.values())))

</pallas_src>

<mosaic_0001>
#map = affine_map<(d0, d1) -> (0, 0, 0)>
#map1 = affine_map<(d0, d1) -> (0, 0)>
module attributes {stable_mosaic.version = 14 : i64} {
  func.func @agg(%arg0: i32, %arg1: i32, %arg2: memref<2x10000x64xf32, #tpu.memory_space<hbm>>, %arg3: memref<2x2500x128xi32, #tpu.memory_space<hbm>>, %arg4: memref<10240x128xf32, #tpu.memory_space<hbm>>, %arg5: memref<2x80x128xf32, #tpu.memory_space<hbm>>, %arg6: memref<159x128xi32, #tpu.memory_space<vmem>>, %arg7: memref<159x128xi32, #tpu.memory_space<vmem>>, %arg8: memref<3x128x64xf32, #tpu.memory_space<vmem>>, %arg9: memref<32x64xf32, #tpu.memory_space<vmem>>, %arg10: memref<80x128xf32, #tpu.memory_space<vmem>>, %arg11: memref<80xi32, #tpu.memory_space<vmem>>, %arg12: memref<10240x64xf32, #tpu.memory_space<vmem_shared>>, %arg13: memref<80x128xf32, #tpu.memory_space<vmem_shared>>, %arg14: memref<!tpu.dma_semaphore, #tpu.memory_space<semaphore_mem>>, %arg15: memref<!tpu.dma_semaphore, #tpu.memory_space<semaphore_mem>>, %arg16: memref<!tpu.dma_semaphore, #tpu.memory_space<semaphore_mem>>, %arg17: memref<!tpu.dma_semaphore, #tpu.memory_space<semaphore_mem>>, %arg18: memref<!tpu.dma_semaphore, #tpu.memory_space<semaphore_mem>>, %arg19: memref<!tpu.dma_semaphore, #tpu.memory_space<semaphore_mem>>) attributes {dimension_semantics = [#tpu.dimension_semantics<core_parallel>, #tpu.dimension_semantics<subcore_parallel>], iteration_bounds = array<i64: 2, 16>, scalar_prefetch = 0 : i64, scratch_operands = 14 : i64, tpu.core_type = #tpu.core_type<sc_vector_subcore>, window_params = [{transform_indices = #map}, {transform_indices = #map}, {transform_indices = #map1}, {transform_indices = #map}]} {
    %mul3A = arith.constant 157 : i32
    %mul3A_0 = arith.muli %arg1, %mul3A : i32
    %eq3A = arith.constant 15 : i32
    %eq3A_1 = arith.cmpi eq, %arg1, %eq3A : i32
    %jit3A = arith.constant 145 : i32
    %jit3A_2 = arith.constant 157 : i32
    %select_n3A = arith.select %eq3A_1, %jit3A, %jit3A_2 : i32
    %eq3A_3 = arith.constant 15 : i32
    %eq3A_4 = arith.cmpi eq, %arg1, %eq3A_3 : i32
    %convert_element_type3A = arith.extui %eq3A_4 : i1 to i32
    %cond3A = arith.constant 0 : i32
    %cond3A_5 = arith.cmpi ne, %convert_element_type3A, %cond3A : i32
    scf.if %cond3A_5 {
      %dma_start3A_191 = arith.constant 0 : i32
      %dma_start3A_192 = arith.constant 0 : i32
      %dma_start3A_193 = arith.constant 0 : i32
      %dma_start3A_194 = tpu.memref_slice %arg6[%dma_start3A_192, %dma_start3A_193] : memref<159x128xi32, #tpu.memory_space<vmem>> -> memref<145x128xi32, #tpu.memory_space<vmem>>
      %dma_start3A_195 = arith.constant 0 : i32
      %dma_start3A_196 = tpu.memref_slice %arg3[%dma_start3A_191, %mul3A_0, %dma_start3A_195] : memref<2x2500x128xi32, #tpu.memory_space<hbm>> -> memref<1x145x128xi32, #tpu.memory_space<hbm>>
      %dma_start3A_197 = tpu.memref_squeeze %dma_start3A_196 : memref<1x145x128xi32, #tpu.memory_space<hbm>> -> memref<145x128xi32, #tpu.memory_space<hbm>>
      %dma_start3A_198 = arith.constant 0 : i32
      %dma_start3A_199 = arith.constant 0 : i32
      %dma_start3A_200 = tpu.memref_slice %arg6[%dma_start3A_198, %dma_start3A_199] : memref<159x128xi32, #tpu.memory_space<vmem>> -> memref<145x128xi32, #tpu.memory_space<vmem>>
      %dma_start3A_201 = arith.constant 0 : i32
      %dma_start3A_202 = tpu.memref_slice %arg3[%dma_start3A_191, %mul3A_0, %dma_start3A_201] : memref<2x2500x128xi32, #tpu.memory_space<hbm>> -> memref<1x145x128xi32, #tpu.memory_space<hbm>>
      %dma_start3A_203 = tpu.memref_squeeze %dma_start3A_202 : memref<1x145x128xi32, #tpu.memory_space<hbm>> -> memref<145x128xi32, #tpu.memory_space<hbm>>
      tpu.enqueue_dma source(%dma_start3A_203 : memref<145x128xi32, #tpu.memory_space<hbm>>) target(%dma_start3A_200 : memref<145x128xi32, #tpu.memory_space<vmem>>) target_semaphore(%arg14 : memref<!tpu.dma_semaphore, #tpu.memory_space<semaphore_mem>>)
      %dma_start3A_204 = arith.constant 1 : i32
      %dma_start3A_205 = arith.constant 0 : i32
      %dma_start3A_206 = arith.constant 0 : i32
      %dma_start3A_207 = tpu.memref_slice %arg7[%dma_start3A_205, %dma_start3A_206] : memref<159x128xi32, #tpu.memory_space<vmem>> -> memref<145x128xi32, #tpu.memory_space<vmem>>
      %dma_start3A_208 = arith.constant 0 : i32
      %dma_start3A_209 = tpu.memref_slice %arg3[%dma_start3A_204, %mul3A_0, %dma_start3A_208] : memref<2x2500x128xi32, #tpu.memory_space<hbm>> -> memref<1x145x128xi32, #tpu.memory_space<hbm>>
      %dma_start3A_210 = tpu.memref_squeeze %dma_start3A_209 : memref<1x145x128xi32, #tpu.memory_space<hbm>> -> memref<145x128xi32, #tpu.memory_space<hbm>>
      %dma_start3A_211 = arith.constant 0 : i32
      %dma_start3A_212 = arith.constant 0 : i32
      %dma_start3A_213 = tpu.memref_slice %arg7[%dma_start3A_211, %dma_start3A_212] : memref<159x128xi32, #tpu.memory_space<vmem>> -> memref<145x128xi32, #tpu.memory_space<vmem>>
      %dma_start3A_214 = arith.constant 0 : i32
      %dma_start3A_215 = tpu.memref_slice %arg3[%dma_start3A_204, %mul3A_0, %dma_start3A_214] : memref<2x2500x128xi32, #tpu.memory_space<hbm>> -> memref<1x145x128xi32, #tpu.memory_space<hbm>>
      %dma_start3A_216 = tpu.memref_squeeze %dma_start3A_215 : memref<1x145x128xi32, #tpu.memory_space<hbm>> -> memref<145x128xi32, #tpu.memory_space<hbm>>
      tpu.enqueue_dma source(%dma_start3A_216 : memref<145x128xi32, #tpu.memory_space<hbm>>) target(%dma_start3A_213 : memref<145x128xi32, #tpu.memory_space<vmem>>) target_semaphore(%arg15 : memref<!tpu.dma_semaphore, #tpu.memory_space<semaphore_mem>>)
    } else {
    }
    %ne3A = arith.constant 15 : i32
    %ne3A_6 = arith.cmpi ne, %arg1, %ne3A : i32
    %convert_element_type3A_7 = arith.extui %ne3A_6 : i1 to i32
    %cond3A_8 = arith.constant 0 : i32
    %cond3A_9 = arith.cmpi ne, %convert_element_type3A_7, %cond3A_8 : i32
    scf.if %cond3A_9 {
      %dma_start3A_191 = arith.constant 0 : i32
      %dma_start3A_192 = arith.constant 0 : i32
      %dma_start3A_193 = arith.constant 0 : i32
      %dma_start3A_194 = tpu.memref_slice %arg6[%dma_start3A_192, %dma_start3A_193] : memref<159x128xi32, #tpu.memory_space<vmem>> -> memref<157x128xi32, #tpu.memory_space<vmem>>
      %dma_start3A_195 = arith.constant 0 : i32
      %dma_start3A_196 = tpu.memref_slice %arg3[%dma_start3A_191, %mul3A_0, %dma_start3A_195] : memref<2x2500x128xi32, #tpu.memory_space<hbm>> -> memref<1x157x128xi32, #tpu.memory_space<hbm>>
      %dma_start3A_197 = tpu.memref_squeeze %dma_start3A_196 : memref<1x157x128xi32, #tpu.memory_space<hbm>> -> memref<157x128xi32, #tpu.memory_space<hbm>>
      %dma_start3A_198 = arith.constant 0 : i32
      %dma_start3A_199 = arith.constant 0 : i32
      %dma_start3A_200 = tpu.memref_slice %arg6[%dma_start3A_198, %dma_start3A_199] : memref<159x128xi32, #tpu.memory_space<vmem>> -> memref<157x128xi32, #tpu.memory_space<vmem>>
      %dma_start3A_201 = arith.constant 0 : i32
      %dma_start3A_202 = tpu.memref_slice %arg3[%dma_start3A_191, %mul3A_0, %dma_start3A_201] : memref<2x2500x128xi32, #tpu.memory_space<hbm>> -> memref<1x157x128xi32, #tpu.memory_space<hbm>>
      %dma_start3A_203 = tpu.memref_squeeze %dma_start3A_202 : memref<1x157x128xi32, #tpu.memory_space<hbm>> -> memref<157x128xi32, #tpu.memory_space<hbm>>
      tpu.enqueue_dma source(%dma_start3A_203 : memref<157x128xi32, #tpu.memory_space<hbm>>) target(%dma_start3A_200 : memref<157x128xi32, #tpu.memory_space<vmem>>) target_semaphore(%arg14 : memref<!tpu.dma_semaphore, #tpu.memory_space<semaphore_mem>>)
      %dma_start3A_204 = arith.constant 1 : i32
      %dma_start3A_205 = arith.constant 0 : i32
      %dma_start3A_206 = arith.constant 0 : i32
      %dma_start3A_207 = tpu.memref_slice %arg7[%dma_start3A_205, %dma_start3A_206] : memref<159x128xi32, #tpu.memory_space<vmem>> -> memref<157x128xi32, #tpu.memory_space<vmem>>
      %dma_start3A_208 = arith.constant 0 : i32
      %dma_start3A_209 = tpu.memref_slice %arg3[%dma_start3A_204, %mul3A_0, %dma_start3A_208] : memref<2x2500x128xi32, #tpu.memory_space<hbm>> -> memref<1x157x128xi32, #tpu.memory_space<hbm>>
      %dma_start3A_210 = tpu.memref_squeeze %dma_start3A_209 : memref<1x157x128xi32, #tpu.memory_space<hbm>> -> memref<157x128xi32, #tpu.memory_space<hbm>>
      %dma_start3A_211 = arith.constant 0 : i32
      %dma_start3A_212 = arith.constant 0 : i32
      %dma_start3A_213 = tpu.memref_slice %arg7[%dma_start3A_211, %dma_start3A_212] : memref<159x128xi32, #tpu.memory_space<vmem>> -> memref<157x128xi32, #tpu.memory_space<vmem>>
      %dma_start3A_214 = arith.constant 0 : i32
      %dma_start3A_215 = tpu.memref_slice %arg3[%dma_start3A_204, %mul3A_0, %dma_start3A_214] : memref<2x2500x128xi32, #tpu.memory_space<hbm>> -> memref<1x157x128xi32, #tpu.memory_space<hbm>>
      %dma_start3A_216 = tpu.memref_squeeze %dma_start3A_215 : memref<1x157x128xi32, #tpu.memory_space<hbm>> -> memref<157x128xi32, #tpu.memory_space<hbm>>
      tpu.enqueue_dma source(%dma_start3A_216 : memref<157x128xi32, #tpu.memory_space<hbm>>) target(%dma_start3A_213 : memref<157x128xi32, #tpu.memory_space<vmem>>) target_semaphore(%arg15 : memref<!tpu.dma_semaphore, #tpu.memory_space<semaphore_mem>>)
    } else {
    }
    %scan3A = arith.constant 0 : i32
    %scan3A_10 = arith.constant 32 : i32
    %scan3A_11 = arith.addi %scan3A, %scan3A_10 : i32
    %scan3A_12 = arith.constant 1 : i32
    scf.for %scan3A_191 = %scan3A to %scan3A_11 step %scan3A_12  : i32 {
      %mul3A_192 = arith.constant 1 : i32
      %mul3A_193 = arith.muli %scan3A_191, %mul3A_192 : i32
      %add3A_194 = arith.constant 0 : i32
      %add3A_195 = arith.addi %add3A_194, %mul3A_193 : i32
      %scan3A_196 = arith.constant 0 : i32
      %scan3A_197 = arith.constant 4 : i32
      %scan3A_198 = arith.addi %scan3A_196, %scan3A_197 : i32
      %scan3A_199 = arith.constant 1 : i32
      scf.for %scan3A_201 = %scan3A_196 to %scan3A_198 step %scan3A_199  : i32 {
        %mul3A_202 = arith.constant 16 : i32
        %mul3A_203 = arith.muli %scan3A_201, %mul3A_202 : i32
        %add3A_204 = arith.constant 0 : i32
        %add3A_205 = arith.addi %add3A_204, %mul3A_203 : i32
        %broadcast_in_dim3A = arith.constant 0.000000e+00 : f32
        %broadcast_in_dim3A_206 = vector.broadcast %broadcast_in_dim3A : f32 to vector<16xf32>
        %swap3A_207 = arith.index_cast %add3A_195 : i32 to index
        %swap3A_208 = arith.index_cast %add3A_205 : i32 to index
        %swap3A_209 = tpu.vector_load %arg9[%swap3A_207, %swap3A_208] {strides = array<i32>} : memref<32x64xf32, #tpu.memory_space<vmem>>, vector<16xf32>,
        tpu.vector_store %arg9[%swap3A_207, %swap3A_208], %broadcast_in_dim3A_206 {strides = array<i32>} : memref<32x64xf32, #tpu.memory_space<vmem>>, vector<16xf32>,
      }
      %scan3A_200 = arith.constant 4 : i32
    }
    %scan3A_13 = arith.constant 32 : i32
    %scan3A_14 = arith.constant 0 : i32
    %scan3A_15 = arith.constant 80 : i32
    %scan3A_16 = arith.addi %scan3A_14, %scan3A_15 : i32
    %scan3A_17 = arith.constant 1 : i32
    scf.for %scan3A_191 = %scan3A_14 to %scan3A_16 step %scan3A_17  : i32 {
      %mul3A_192 = arith.constant 1 : i32
      %mul3A_193 = arith.muli %scan3A_191, %mul3A_192 : i32
      %add3A_194 = arith.constant 0 : i32
      %add3A_195 = arith.addi %add3A_194, %mul3A_193 : i32
      %scan3A_196 = arith.constant 0 : i32
      %scan3A_197 = arith.constant 8 : i32
      %scan3A_198 = arith.addi %scan3A_196, %scan3A_197 : i32
      %scan3A_199 = arith.constant 1 : i32
      scf.for %scan3A_201 = %scan3A_196 to %scan3A_198 step %scan3A_199  : i32 {
        %mul3A_202 = arith.constant 16 : i32
        %mul3A_203 = arith.muli %scan3A_201, %mul3A_202 : i32
        %add3A_204 = arith.constant 0 : i32
        %add3A_205 = arith.addi %add3A_204, %mul3A_203 : i32
        %broadcast_in_dim3A = arith.constant 0.000000e+00 : f32
        %broadcast_in_dim3A_206 = vector.broadcast %broadcast_in_dim3A : f32 to vector<16xf32>
        %swap3A_207 = arith.index_cast %add3A_195 : i32 to index
        %swap3A_208 = arith.index_cast %add3A_205 : i32 to index
        %swap3A_209 = tpu.vector_load %arg10[%swap3A_207, %swap3A_208] {strides = array<i32>} : memref<80x128xf32, #tpu.memory_space<vmem>>, vector<16xf32>,
        tpu.vector_store %arg10[%swap3A_207, %swap3A_208], %broadcast_in_dim3A_206 {strides = array<i32>} : memref<80x128xf32, #tpu.memory_space<vmem>>, vector<16xf32>,
      }
      %scan3A_200 = arith.constant 8 : i32
    }
    %scan3A_18 = arith.constant 80 : i32
    %iota3A = tpu.iota {dimensions = array<i32: 0>} : vector<16xi32>
    %add3A = arith.constant 0 : i32
    %add3A_19 = vector.broadcast %add3A : i32 to vector<16xi32>
    %add3A_20 = arith.addi %iota3A, %add3A_19 : vector<16xi32>
    %swap3A = arith.constant 0 : index
    %swap3A_21 = tpu.vector_load %arg11[%swap3A] {strides = array<i32>} : memref<80xi32, #tpu.memory_space<vmem>>, vector<16xi32>,
    tpu.vector_store %arg11[%swap3A], %add3A_20 {strides = array<i32>} : memref<80xi32, #tpu.memory_space<vmem>>, vector<16xi32>,
    %iota3A_22 = tpu.iota {dimensions = array<i32: 0>} : vector<16xi32>
    %add3A_23 = arith.constant 16 : i32
    %add3A_24 = vector.broadcast %add3A_23 : i32 to vector<16xi32>
    %add3A_25 = arith.addi %iota3A_22, %add3A_24 : vector<16xi32>
    %swap3A_26 = arith.constant 16 : index
    %swap3A_27 = tpu.vector_load %arg11[%swap3A_26] {strides = array<i32>} : memref<80xi32, #tpu.memory_space<vmem>>, vector<16xi32>,
    tpu.vector_store %arg11[%swap3A_26], %add3A_25 {strides = array<i32>} : memref<80xi32, #tpu.memory_space<vmem>>, vector<16xi32>,
    %iota3A_28 = tpu.iota {dimensions = array<i32: 0>} : vector<16xi32>
    %add3A_29 = arith.constant 32 : i32
    %add3A_30 = vector.broadcast %add3A_29 : i32 to vector<16xi32>
    %add3A_31 = arith.addi %iota3A_28, %add3A_30 : vector<16xi32>
    %swap3A_32 = arith.constant 32 : index
    %swap3A_33 = tpu.vector_load %arg11[%swap3A_32] {strides = array<i32>} : memref<80xi32, #tpu.memory_space<vmem>>, vector<16xi32>,
    tpu.vector_store %arg11[%swap3A_32], %add3A_31 {strides = array<i32>} : memref<80xi32, #tpu.memory_space<vmem>>, vector<16xi32>,
    %iota3A_34 = tpu.iota {dimensions = array<i32: 0>} : vector<16xi32>
    %add3A_35 = arith.constant 48 : i32
    %add3A_36 = vector.broadcast %add3A_35 : i32 to vector<16xi32>
    %add3A_37 = arith.addi %iota3A_34, %add3A_36 : vector<16xi32>
    %swap3A_38 = arith.constant 48 : index
    %swap3A_39 = tpu.vector_load %arg11[%swap3A_38] {strides = array<i32>} : memref<80xi32, #tpu.memory_space<vmem>>, vector<16xi32>,
    tpu.vector_store %arg11[%swap3A_38], %add3A_37 {strides = array<i32>} : memref<80xi32, #tpu.memory_space<vmem>>, vector<16xi32>,
    %iota3A_40 = tpu.iota {dimensions = array<i32: 0>} : vector<16xi32>
    %add3A_41 = arith.constant 64 : i32
    %add3A_42 = vector.broadcast %add3A_41 : i32 to vector<16xi32>
    %add3A_43 = arith.addi %iota3A_40, %add3A_42 : vector<16xi32>
    %swap3A_44 = arith.constant 64 : index
    %swap3A_45 = tpu.vector_load %arg11[%swap3A_44] {strides = array<i32>} : memref<80xi32, #tpu.memory_space<vmem>>, vector<16xi32>,
    tpu.vector_store %arg11[%swap3A_44], %add3A_43 {strides = array<i32>} : memref<80xi32, #tpu.memory_space<vmem>>, vector<16xi32>,
    %mul3A_46 = arith.constant 640 : i32
    %mul3A_47 = arith.muli %arg1, %mul3A_46 : i32
    %scan3A_48 = arith.constant 0 : i32
    %scan3A_49 = arith.constant 20 : i32
    %scan3A_50 = arith.addi %scan3A_48, %scan3A_49 : i32
    %scan3A_51 = arith.constant 1 : i32
    scf.for %scan3A_191 = %scan3A_48 to %scan3A_50 step %scan3A_51  : i32 {
      %mul3A_192 = arith.constant 32 : i32
      %mul3A_193 = arith.muli %scan3A_191, %mul3A_192 : i32
      %add3A_194 = arith.constant 0 : i32
      %add3A_195 = arith.addi %add3A_194, %mul3A_193 : i32
      %add3A_196 = arith.addi %mul3A_47, %add3A_195 : i32
      %dma_start3A_197 = arith.constant 0 : i32
      %dma_start3A_198 = tpu.memref_slice %arg12[%add3A_196, %dma_start3A_197] : memref<10240x64xf32, #tpu.memory_space<vmem_shared>> -> memref<32x64xf32, #tpu.memory_space<vmem_shared>>
      %dma_start3A_199 = arith.constant 0 : i32
      %dma_start3A_200 = tpu.memref_slice %arg12[%add3A_196, %dma_start3A_199] : memref<10240x64xf32, #tpu.memory_space<vmem_shared>> -> memref<32x64xf32, #tpu.memory_space<vmem_shared>>
      tpu.enqueue_dma source(%arg9 : memref<32x64xf32, #tpu.memory_space<vmem>>) target(%dma_start3A_200 : memref<32x64xf32, #tpu.memory_space<vmem_shared>>) target_semaphore(%arg17 : memref<!tpu.dma_semaphore, #tpu.memory_space<semaphore_mem>>)
    }
    %scan3A_52 = arith.constant 20 : i32
    %mul3A_53 = arith.constant 5 : i32
    %mul3A_54 = arith.muli %arg1, %mul3A_53 : i32
    %mul3A_55 = arith.constant 5 : i32
    %mul3A_56 = arith.muli %arg1, %mul3A_55 : i32
    %dma_start3A = arith.constant 0 : i32
    %dma_start3A_57 = tpu.memref_slice %arg10[%mul3A_54, %dma_start3A] : memref<80x128xf32, #tpu.memory_space<vmem>> -> memref<5x128xf32, #tpu.memory_space<vmem>>
    %dma_start3A_58 = arith.constant 0 : i32
    %dma_start3A_59 = tpu.memref_slice %arg13[%mul3A_56, %dma_start3A_58] : memref<80x128xf32, #tpu.memory_space<vmem_shared>> -> memref<5x128xf32, #tpu.memory_space<vmem_shared>>
    %dma_start3A_60 = arith.constant 0 : i32
    %dma_start3A_61 = tpu.memref_slice %arg13[%mul3A_56, %dma_start3A_60] : memref<80x128xf32, #tpu.memory_space<vmem_shared>> -> memref<5x128xf32, #tpu.memory_space<vmem_shared>>
    %dma_start3A_62 = arith.constant 0 : i32
    %dma_start3A_63 = tpu.memref_slice %arg10[%mul3A_54, %dma_start3A_62] : memref<80x128xf32, #tpu.memory_space<vmem>> -> memref<5x128xf32, #tpu.memory_space<vmem>>
    tpu.enqueue_dma source(%dma_start3A_63 : memref<5x128xf32, #tpu.memory_space<vmem>>) target(%dma_start3A_61 : memref<5x128xf32, #tpu.memory_space<vmem_shared>>) target_semaphore(%arg18 : memref<!tpu.dma_semaphore, #tpu.memory_space<semaphore_mem>>)
    %eq3A_64 = arith.constant 15 : i32
    %eq3A_65 = arith.cmpi eq, %arg1, %eq3A_64 : i32
    %convert_element_type3A_66 = arith.extui %eq3A_65 : i1 to i32
    %cond3A_67 = arith.constant 0 : i32
    %cond3A_68 = arith.cmpi ne, %convert_element_type3A_66, %cond3A_67 : i32
    scf.if %cond3A_68 {
      %dma_wait3A_191 = arith.constant 0 : i32
      %dma_wait3A_192 = arith.constant 0 : i32
      %dma_wait3A_193 = arith.constant 0 : i32
      %dma_wait3A_194 = tpu.memref_slice %arg6[%dma_wait3A_192, %dma_wait3A_193] : memref<159x128xi32, #tpu.memory_space<vmem>> -> memref<145x128xi32, #tpu.memory_space<vmem>>
      %dma_wait3A_195 = arith.constant 0 : i32
      %dma_wait3A_196 = arith.constant 0 : i32
      %dma_wait3A_197 = tpu.memref_slice %arg3[%dma_wait3A_191, %dma_wait3A_195, %dma_wait3A_196] : memref<2x2500x128xi32, #tpu.memory_space<hbm>> -> memref<1x145x128xi32, #tpu.memory_space<hbm>>
      %dma_wait3A_198 = tpu.memref_squeeze %dma_wait3A_197 : memref<1x145x128xi32, #tpu.memory_space<hbm>> -> memref<145x128xi32, #tpu.memory_space<hbm>>
      %dma_wait3A_199 = arith.constant 0 : i32
      %dma_wait3A_200 = arith.constant 0 : i32
      %dma_wait3A_201 = tpu.memref_slice %arg6[%dma_wait3A_199, %dma_wait3A_200] : memref<159x128xi32, #tpu.memory_space<vmem>> -> memref<145x128xi32, #tpu.memory_space<vmem>>
      %dma_wait3A_202 = arith.constant 0 : i32
      %dma_wait3A_203 = arith.constant 0 : i32
      %dma_wait3A_204 = tpu.memref_slice %arg3[%dma_wait3A_191, %dma_wait3A_202, %dma_wait3A_203] : memref<2x2500x128xi32, #tpu.memory_space<hbm>> -> memref<1x145x128xi32, #tpu.memory_space<hbm>>
      %dma_wait3A_205 = tpu.memref_squeeze %dma_wait3A_204 : memref<1x145x128xi32, #tpu.memory_space<hbm>> -> memref<145x128xi32, #tpu.memory_space<hbm>>
      tpu.wait_dma2 semaphore(%arg14 : memref<!tpu.dma_semaphore, #tpu.memory_space<semaphore_mem>>) src(%dma_wait3A_205 : memref<145x128xi32, #tpu.memory_space<hbm>>) dst(%dma_wait3A_201 : memref<145x128xi32, #tpu.memory_space<vmem>>)
      %dma_wait3A_206 = arith.constant 1 : i32
      %dma_wait3A_207 = arith.constant 0 : i32
      %dma_wait3A_208 = arith.constant 0 : i32
      %dma_wait3A_209 = tpu.memref_slice %arg7[%dma_wait3A_207, %dma_wait3A_208] : memref<159x128xi32, #tpu.memory_space<vmem>> -> memref<145x128xi32, #tpu.memory_space<vmem>>
      %dma_wait3A_210 = arith.constant 0 : i32
      %dma_wait3A_211 = arith.constant 0 : i32
      %dma_wait3A_212 = tpu.memref_slice %arg3[%dma_wait3A_206, %dma_wait3A_210, %dma_wait3A_211] : memref<2x2500x128xi32, #tpu.memory_space<hbm>> -> memref<1x145x128xi32, #tpu.memory_space<hbm>>
      %dma_wait3A_213 = tpu.memref_squeeze %dma_wait3A_212 : memref<1x145x128xi32, #tpu.memory_space<hbm>> -> memref<145x128xi32, #tpu.memory_space<hbm>>
      %dma_wait3A_214 = arith.constant 0 : i32
      %dma_wait3A_215 = arith.constant 0 : i32
      %dma_wait3A_216 = tpu.memref_slice %arg7[%dma_wait3A_214, %dma_wait3A_215] : memref<159x128xi32, #tpu.memory_space<vmem>> -> memref<145x128xi32, #tpu.memory_space<vmem>>
      %dma_wait3A_217 = arith.constant 0 : i32
      %dma_wait3A_218 = arith.constant 0 : i32
      %dma_wait3A_219 = tpu.memref_slice %arg3[%dma_wait3A_206, %dma_wait3A_217, %dma_wait3A_218] : memref<2x2500x128xi32, #tpu.memory_space<hbm>> -> memref<1x145x128xi32, #tpu.memory_space<hbm>>
      %dma_wait3A_220 = tpu.memref_squeeze %dma_wait3A_219 : memref<1x145x128xi32, #tpu.memory_space<hbm>> -> memref<145x128xi32, #tpu.memory_space<hbm>>
      tpu.wait_dma2 semaphore(%arg15 : memref<!tpu.dma_semaphore, #tpu.memory_space<semaphore_mem>>) src(%dma_wait3A_220 : memref<145x128xi32, #tpu.memory_space<hbm>>) dst(%dma_wait3A_216 : memref<145x128xi32, #tpu.memory_space<vmem>>)
    } else {
    }
    %ne3A_69 = arith.constant 15 : i32
    %ne3A_70 = arith.cmpi ne, %arg1, %ne3A_69 : i32
    %convert_element_type3A_71 = arith.extui %ne3A_70 : i1 to i32
    %cond3A_72 = arith.constant 0 : i32
    %cond3A_73 = arith.cmpi ne, %convert_element_type3A_71, %cond3A_72 : i32
    scf.if %cond3A_73 {
      %dma_wait3A_191 = arith.constant 0 : i32
      %dma_wait3A_192 = arith.constant 0 : i32
      %dma_wait3A_193 = arith.constant 0 : i32
      %dma_wait3A_194 = tpu.memref_slice %arg6[%dma_wait3A_192, %dma_wait3A_193] : memref<159x128xi32, #tpu.memory_space<vmem>> -> memref<157x128xi32, #tpu.memory_space<vmem>>
      %dma_wait3A_195 = arith.constant 0 : i32
      %dma_wait3A_196 = arith.constant 0 : i32
      %dma_wait3A_197 = tpu.memref_slice %arg3[%dma_wait3A_191, %dma_wait3A_195, %dma_wait3A_196] : memref<2x2500x128xi32, #tpu.memory_space<hbm>> -> memref<1x157x128xi32, #tpu.memory_space<hbm>>
      %dma_wait3A_198 = tpu.memref_squeeze %dma_wait3A_197 : memref<1x157x128xi32, #tpu.memory_space<hbm>> -> memref<157x128xi32, #tpu.memory_space<hbm>>
      %dma_wait3A_199 = arith.constant 0 : i32
      %dma_wait3A_200 = arith.constant 0 : i32
      %dma_wait3A_201 = tpu.memref_slice %arg6[%dma_wait3A_199, %dma_wait3A_200] : memref<159x128xi32, #tpu.memory_space<vmem>> -> memref<157x128xi32, #tpu.memory_space<vmem>>
      %dma_wait3A_202 = arith.constant 0 : i32
      %dma_wait3A_203 = arith.constant 0 : i32
      %dma_wait3A_204 = tpu.memref_slice %arg3[%dma_wait3A_191, %dma_wait3A_202, %dma_wait3A_203] : memref<2x2500x128xi32, #tpu.memory_space<hbm>> -> memref<1x157x128xi32, #tpu.memory_space<hbm>>
      %dma_wait3A_205 = tpu.memref_squeeze %dma_wait3A_204 : memref<1x157x128xi32, #tpu.memory_space<hbm>> -> memref<157x128xi32, #tpu.memory_space<hbm>>
      tpu.wait_dma2 semaphore(%arg14 : memref<!tpu.dma_semaphore, #tpu.memory_space<semaphore_mem>>) src(%dma_wait3A_205 : memref<157x128xi32, #tpu.memory_space<hbm>>) dst(%dma_wait3A_201 : memref<157x128xi32, #tpu.memory_space<vmem>>)
      %dma_wait3A_206 = arith.constant 1 : i32
      %dma_wait3A_207 = arith.constant 0 : i32
      %dma_wait3A_208 = arith.constant 0 : i32
      %dma_wait3A_209 = tpu.memref_slice %arg7[%dma_wait3A_207, %dma_wait3A_208] : memref<159x128xi32, #tpu.memory_space<vmem>> -> memref<157x128xi32, #tpu.memory_space<vmem>>
      %dma_wait3A_210 = arith.constant 0 : i32
      %dma_wait3A_211 = arith.constant 0 : i32
      %dma_wait3A_212 = tpu.memref_slice %arg3[%dma_wait3A_206, %dma_wait3A_210, %dma_wait3A_211] : memref<2x2500x128xi32, #tpu.memory_space<hbm>> -> memref<1x157x128xi32, #tpu.memory_space<hbm>>
      %dma_wait3A_213 = tpu.memref_squeeze %dma_wait3A_212 : memref<1x157x128xi32, #tpu.memory_space<hbm>> -> memref<157x128xi32, #tpu.memory_space<hbm>>
      %dma_wait3A_214 = arith.constant 0 : i32
      %dma_wait3A_215 = arith.constant 0 : i32
      %dma_wait3A_216 = tpu.memref_slice %arg7[%dma_wait3A_214, %dma_wait3A_215] : memref<159x128xi32, #tpu.memory_space<vmem>> -> memref<157x128xi32, #tpu.memory_space<vmem>>
      %dma_wait3A_217 = arith.constant 0 : i32
      %dma_wait3A_218 = arith.constant 0 : i32
      %dma_wait3A_219 = tpu.memref_slice %arg3[%dma_wait3A_206, %dma_wait3A_217, %dma_wait3A_218] : memref<2x2500x128xi32, #tpu.memory_space<hbm>> -> memref<1x157x128xi32, #tpu.memory_space<hbm>>
      %dma_wait3A_220 = tpu.memref_squeeze %dma_wait3A_219 : memref<1x157x128xi32, #tpu.memory_space<hbm>> -> memref<157x128xi32, #tpu.memory_space<hbm>>
      tpu.wait_dma2 semaphore(%arg15 : memref<!tpu.dma_semaphore, #tpu.memory_space<semaphore_mem>>) src(%dma_wait3A_220 : memref<157x128xi32, #tpu.memory_space<hbm>>) dst(%dma_wait3A_216 : memref<157x128xi32, #tpu.memory_space<vmem>>)
    } else {
    }
    %scan3A_74 = arith.constant 0 : i32
    %scan3A_75 = arith.constant 14 : i32
    %scan3A_76 = arith.addi %scan3A_74, %scan3A_75 : i32
    %scan3A_77 = arith.constant 1 : i32
    scf.for %scan3A_191 = %scan3A_74 to %scan3A_76 step %scan3A_77  : i32 {
      %mul3A_192 = arith.constant 1 : i32
      %mul3A_193 = arith.muli %scan3A_191, %mul3A_192 : i32
      %add3A_194 = arith.constant 0 : i32
      %add3A_195 = arith.addi %add3A_194, %mul3A_193 : i32
      %add3A_196 = arith.addi %select_n3A, %add3A_195 : i32
      %lt3A = arith.constant 159 : i32
      %lt3A_197 = arith.cmpi slt, %add3A_196, %lt3A : i32
      %convert_element_type3A_198 = arith.extui %lt3A_197 : i1 to i32
      %cond3A_199 = arith.constant 0 : i32
      %cond3A_200 = arith.cmpi ne, %convert_element_type3A_198, %cond3A_199 : i32
      scf.if %cond3A_200 {
        %scan3A_201 = arith.constant 0 : i32
        %scan3A_202 = arith.constant 8 : i32
        %scan3A_203 = arith.addi %scan3A_201, %scan3A_202 : i32
        %scan3A_204 = arith.constant 1 : i32
        scf.for %scan3A_206 = %scan3A_201 to %scan3A_203 step %scan3A_204  : i32 {
          %mul3A_207 = arith.constant 16 : i32
          %mul3A_208 = arith.muli %scan3A_206, %mul3A_207 : i32
          %add3A_209 = arith.constant 0 : i32
          %add3A_210 = arith.addi %add3A_209, %mul3A_208 : i32
          %broadcast_in_dim3A = arith.constant 0 : i32
          %broadcast_in_dim3A_211 = vector.broadcast %broadcast_in_dim3A : i32 to vector<16xi32>
          %swap3A_212 = arith.index_cast %add3A_196 : i32 to index
          %swap3A_213 = arith.index_cast %add3A_210 : i32 to index
          %swap3A_214 = tpu.vector_load %arg6[%swap3A_212, %swap3A_213] {strides = array<i32>} : memref<159x128xi32, #tpu.memory_space<vmem>>, vector<16xi32>,
          tpu.vector_store %arg6[%swap3A_212, %swap3A_213], %broadcast_in_dim3A_211 {strides = array<i32>} : memref<159x128xi32, #tpu.memory_space<vmem>>, vector<16xi32>,
          %broadcast_in_dim3A_215 = arith.constant 10000 : i32
          %broadcast_in_dim3A_216 = vector.broadcast %broadcast_in_dim3A_215 : i32 to vector<16xi32>
          %swap3A_217 = arith.index_cast %add3A_196 : i32 to index
          %swap3A_218 = arith.index_cast %add3A_210 : i32 to index
          %swap3A_219 = tpu.vector_load %arg7[%swap3A_217, %swap3A_218] {strides = array<i32>} : memref<159x128xi32, #tpu.memory_space<vmem>>, vector<16xi32>,
          tpu.vector_store %arg7[%swap3A_217, %swap3A_218], %broadcast_in_dim3A_216 {strides = array<i32>} : memref<159x128xi32, #tpu.memory_space<vmem>>, vector<16xi32>,
        }
        %scan3A_205 = arith.constant 8 : i32
      } else {
      }
    }
    %scan3A_78 = arith.constant 14 : i32
    %dma_start3A_79 = arith.constant 0 : i32
    %dma_start3A_80 = arith.constant 0 : i32
    %dma_start3A_81 = arith.constant 0 : i32
    %dma_start3A_82 = arith.constant 0 : i32
    %dma_start3A_83 = tpu.memref_slice %arg8[%dma_start3A_80, %dma_start3A_81, %dma_start3A_82] : memref<3x128x64xf32, #tpu.memory_space<vmem>> -> memref<1x128x64xf32, #tpu.memory_space<vmem>>
    %dma_start3A_84 = tpu.memref_squeeze %dma_start3A_83 : memref<1x128x64xf32, #tpu.memory_space<vmem>> -> memref<128x64xf32, #tpu.memory_space<vmem>>
    %dma_start3A_85 = arith.constant 0 : i32
    %dma_start3A_86 = tpu.memref_slice %arg6[%dma_start3A_79, %dma_start3A_85] : memref<159x128xi32, #tpu.memory_space<vmem>> -> memref<1x128xi32, #tpu.memory_space<vmem>>
    %dma_start3A_87 = tpu.memref_squeeze %dma_start3A_86 : memref<1x128xi32, #tpu.memory_space<vmem>> -> memref<128xi32, #tpu.memory_space<vmem>>
    %dma_start3A_88 = arith.constant 0 : i32
    %dma_start3A_89 = arith.constant 0 : i32
    %dma_start3A_90 = tpu.memref_slice %arg2[%arg0, %dma_start3A_88, %dma_start3A_89] : memref<2x10000x64xf32, #tpu.memory_space<hbm>> -> memref<1x10000x64xf32, #tpu.memory_space<hbm>>
    %dma_start3A_91 = tpu.memref_squeeze %dma_start3A_90 : memref<1x10000x64xf32, #tpu.memory_space<hbm>> -> memref<10000x64xf32, #tpu.memory_space<hbm>>
    %dma_start3A_92 = arith.constant 0 : i32
    %dma_start3A_93 = arith.constant 0 : i32
    %dma_start3A_94 = tpu.memref_slice %dma_start3A_91[%dma_start3A_92, %dma_start3A_93] : memref<10000x64xf32, #tpu.memory_space<hbm>> -> memref<10000x64xf32, #tpu.memory_space<hbm>>
    tpu.enqueue_indirect_dma source(%dma_start3A_94 : memref<10000x64xf32, #tpu.memory_space<hbm>>) target(%dma_start3A_84 : memref<128x64xf32, #tpu.memory_space<vmem>>) offsets(%dma_start3A_87 : memref<128xi32, #tpu.memory_space<vmem>>) semaphore(%arg14 : memref<!tpu.dma_semaphore, #tpu.memory_space<semaphore_mem>>)
    %dma_start3A_95 = arith.constant 1 : i32
    %dma_start3A_96 = arith.constant 1 : i32
    %dma_start3A_97 = arith.constant 0 : i32
    %dma_start3A_98 = arith.constant 0 : i32
    %dma_start3A_99 = tpu.memref_slice %arg8[%dma_start3A_96, %dma_start3A_97, %dma_start3A_98] : memref<3x128x64xf32, #tpu.memory_space<vmem>> -> memref<1x128x64xf32, #tpu.memory_space<vmem>>
    %dma_start3A_100 = tpu.memref_squeeze %dma_start3A_99 : memref<1x128x64xf32, #tpu.memory_space<vmem>> -> memref<128x64xf32, #tpu.memory_space<vmem>>
    %dma_start3A_101 = arith.constant 0 : i32
    %dma_start3A_102 = tpu.memref_slice %arg6[%dma_start3A_95, %dma_start3A_101] : memref<159x128xi32, #tpu.memory_space<vmem>> -> memref<1x128xi32, #tpu.memory_space<vmem>>
    %dma_start3A_103 = tpu.memref_squeeze %dma_start3A_102 : memref<1x128xi32, #tpu.memory_space<vmem>> -> memref<128xi32, #tpu.memory_space<vmem>>
    %dma_start3A_104 = arith.constant 0 : i32
    %dma_start3A_105 = arith.constant 0 : i32
    %dma_start3A_106 = tpu.memref_slice %arg2[%arg0, %dma_start3A_104, %dma_start3A_105] : memref<2x10000x64xf32, #tpu.memory_space<hbm>> -> memref<1x10000x64xf32, #tpu.memory_space<hbm>>
    %dma_start3A_107 = tpu.memref_squeeze %dma_start3A_106 : memref<1x10000x64xf32, #tpu.memory_space<hbm>> -> memref<10000x64xf32, #tpu.memory_space<hbm>>
    %dma_start3A_108 = arith.constant 0 : i32
    %dma_start3A_109 = arith.constant 0 : i32
    %dma_start3A_110 = tpu.memref_slice %dma_start3A_107[%dma_start3A_108, %dma_start3A_109] : memref<10000x64xf32, #tpu.memory_space<hbm>> -> memref<10000x64xf32, #tpu.memory_space<hbm>>
    tpu.enqueue_indirect_dma source(%dma_start3A_110 : memref<10000x64xf32, #tpu.memory_space<hbm>>) target(%dma_start3A_100 : memref<128x64xf32, #tpu.memory_space<vmem>>) offsets(%dma_start3A_103 : memref<128xi32, #tpu.memory_space<vmem>>) semaphore(%arg15 : memref<!tpu.dma_semaphore, #tpu.memory_space<semaphore_mem>>)
    %dma_start3A_111 = arith.constant 2 : i32
    %dma_start3A_112 = arith.constant 2 : i32
    %dma_start3A_113 = arith.constant 0 : i32
    %dma_start3A_114 = arith.constant 0 : i32
    %dma_start3A_115 = tpu.memref_slice %arg8[%dma_start3A_112, %dma_start3A_113, %dma_start3A_114] : memref<3x128x64xf32, #tpu.memory_space<vmem>> -> memref<1x128x64xf32, #tpu.memory_space<vmem>>
    %dma_start3A_116 = tpu.memref_squeeze %dma_start3A_115 : memref<1x128x64xf32, #tpu.memory_space<vmem>> -> memref<128x64xf32, #tpu.memory_space<vmem>>
    %dma_start3A_117 = arith.constant 0 : i32
    %dma_start3A_118 = tpu.memref_slice %arg6[%dma_start3A_111, %dma_start3A_117] : memref<159x128xi32, #tpu.memory_space<vmem>> -> memref<1x128xi32, #tpu.memory_space<vmem>>
    %dma_start3A_119 = tpu.memref_squeeze %dma_start3A_118 : memref<1x128xi32, #tpu.memory_space<vmem>> -> memref<128xi32, #tpu.memory_space<vmem>>
    %dma_start3A_120 = arith.constant 0 : i32
    %dma_start3A_121 = arith.constant 0 : i32
    %dma_start3A_122 = tpu.memref_slice %arg2[%arg0, %dma_start3A_120, %dma_start3A_121] : memref<2x10000x64xf32, #tpu.memory_space<hbm>> -> memref<1x10000x64xf32, #tpu.memory_space<hbm>>
    %dma_start3A_123 = tpu.memref_squeeze %dma_start3A_122 : memref<1x10000x64xf32, #tpu.memory_space<hbm>> -> memref<10000x64xf32, #tpu.memory_space<hbm>>
    %dma_start3A_124 = arith.constant 0 : i32
    %dma_start3A_125 = arith.constant 0 : i32
    %dma_start3A_126 = tpu.memref_slice %dma_start3A_123[%dma_start3A_124, %dma_start3A_125] : memref<10000x64xf32, #tpu.memory_space<hbm>> -> memref<10000x64xf32, #tpu.memory_space<hbm>>
    tpu.enqueue_indirect_dma source(%dma_start3A_126 : memref<10000x64xf32, #tpu.memory_space<hbm>>) target(%dma_start3A_116 : memref<128x64xf32, #tpu.memory_space<vmem>>) offsets(%dma_start3A_119 : memref<128xi32, #tpu.memory_space<vmem>>) semaphore(%arg16 : memref<!tpu.dma_semaphore, #tpu.memory_space<semaphore_mem>>)
    %scan3A_127 = arith.constant 0 : i32
    %scan3A_128 = arith.constant 20 : i32
    %scan3A_129 = arith.addi %scan3A_127, %scan3A_128 : i32
    %scan3A_130 = arith.constant 1 : i32
    scf.for %scan3A_191 = %scan3A_127 to %scan3A_129 step %scan3A_130  : i32 {
      %mul3A_192 = arith.constant 1 : i32
      %mul3A_193 = arith.muli %scan3A_191, %mul3A_192 : i32
      %add3A_194 = arith.constant 0 : i32
      %add3A_195 = arith.addi %add3A_194, %mul3A_193 : i32
      %dma_wait3A_196 = arith.constant 0 : i32
      %dma_wait3A_197 = tpu.memref_slice %arg12[%mul3A_47, %dma_wait3A_196] : memref<10240x64xf32, #tpu.memory_space<vmem_shared>> -> memref<32x64xf32, #tpu.memory_space<vmem_shared>>
      %dma_wait3A_198 = arith.constant 0 : i32
      %dma_wait3A_199 = tpu.memref_slice %arg12[%mul3A_47, %dma_wait3A_198] : memref<10240x64xf32, #tpu.memory_space<vmem_shared>> -> memref<32x64xf32, #tpu.memory_space<vmem_shared>>
      tpu.wait_dma2 semaphore(%arg17 : memref<!tpu.dma_semaphore, #tpu.memory_space<semaphore_mem>>) src(%arg9 : memref<32x64xf32, #tpu.memory_space<vmem>>) dst(%dma_wait3A_199 : memref<32x64xf32, #tpu.memory_space<vmem_shared>>)
    }
    %scan3A_131 = arith.constant 20 : i32
    %dma_wait3A = arith.constant 0 : i32
    %dma_wait3A_132 = arith.constant 0 : i32
    %dma_wait3A_133 = tpu.memref_slice %arg10[%dma_wait3A, %dma_wait3A_132] : memref<80x128xf32, #tpu.memory_space<vmem>> -> memref<5x128xf32, #tpu.memory_space<vmem>>
    %dma_wait3A_134 = arith.constant 0 : i32
    %dma_wait3A_135 = arith.constant 0 : i32
    %dma_wait3A_136 = tpu.memref_slice %arg13[%dma_wait3A_134, %dma_wait3A_135] : memref<80x128xf32, #tpu.memory_space<vmem_shared>> -> memref<5x128xf32, #tpu.memory_space<vmem_shared>>
    %dma_wait3A_137 = arith.constant 0 : i32
    %dma_wait3A_138 = arith.constant 0 : i32
    %dma_wait3A_139 = tpu.memref_slice %arg13[%dma_wait3A_137, %dma_wait3A_138] : memref<80x128xf32, #tpu.memory_space<vmem_shared>> -> memref<5x128xf32, #tpu.memory_space<vmem_shared>>
    %dma_wait3A_140 = arith.constant 0 : i32
    %dma_wait3A_141 = arith.constant 0 : i32
    %dma_wait3A_142 = tpu.memref_slice %arg10[%dma_wait3A_140, %dma_wait3A_141] : memref<80x128xf32, #tpu.memory_space<vmem>> -> memref<5x128xf32, #tpu.memory_space<vmem>>
    tpu.wait_dma2 semaphore(%arg18 : memref<!tpu.dma_semaphore, #tpu.memory_space<semaphore_mem>>) src(%dma_wait3A_142 : memref<5x128xf32, #tpu.memory_space<vmem>>) dst(%dma_wait3A_139 : memref<5x128xf32, #tpu.memory_space<vmem_shared>>)
    %barrier3A = arith.constant 0 : index
    tpu.barrier barrier_id(%barrier3A)
    %scan3A_143 = arith.constant 0 : i32
    %scan3A_144 = arith.constant 53 : i32
    %scan3A_145 = arith.addi %scan3A_143, %scan3A_144 : i32
    %scan3A_146 = arith.constant 1 : i32
    scf.for %scan3A_191 = %scan3A_143 to %scan3A_145 step %scan3A_146  : i32 {
      %mul3A_192 = arith.constant 3 : i32
      %mul3A_193 = arith.muli %scan3A_191, %mul3A_192 : i32
      %add3A_194 = arith.constant 0 : i32
      %add3A_195 = arith.addi %add3A_194, %mul3A_193 : i32
      %add3A_196 = arith.constant 0 : i32
      %add3A_197 = arith.addi %add3A_195, %add3A_196 : i32
      %dma_wait3A_198 = arith.constant 0 : i32
      %dma_wait3A_199 = arith.constant 0 : i32
      %dma_wait3A_200 = arith.constant 0 : i32
      %dma_wait3A_201 = tpu.memref_slice %arg8[%dma_wait3A_198, %dma_wait3A_199, %dma_wait3A_200] : memref<3x128x64xf32, #tpu.memory_space<vmem>> -> memref<1x128x64xf32, #tpu.memory_space<vmem>>
      %dma_wait3A_202 = tpu.memref_squeeze %dma_wait3A_201 : memref<1x128x64xf32, #tpu.memory_space<vmem>> -> memref<128x64xf32, #tpu.memory_space<vmem>>
      %dma_wait3A_203 = arith.constant 0 : i32
      %dma_wait3A_204 = tpu.memref_slice %arg6[%add3A_197, %dma_wait3A_203] : memref<159x128xi32, #tpu.memory_space<vmem>> -> memref<1x128xi32, #tpu.memory_space<vmem>>
      %dma_wait3A_205 = tpu.memref_squeeze %dma_wait3A_204 : memref<1x128xi32, #tpu.memory_space<vmem>> -> memref<128xi32, #tpu.memory_space<vmem>>
      %dma_wait3A_206 = arith.constant 0 : i32
      %dma_wait3A_207 = arith.constant 0 : i32
      %dma_wait3A_208 = tpu.memref_slice %arg2[%arg0, %dma_wait3A_206, %dma_wait3A_207] : memref<2x10000x64xf32, #tpu.memory_space<hbm>> -> memref<1x10000x64xf32, #tpu.memory_space<hbm>>
      %dma_wait3A_209 = tpu.memref_squeeze %dma_wait3A_208 : memref<1x10000x64xf32, #tpu.memory_space<hbm>> -> memref<10000x64xf32, #tpu.memory_space<hbm>>
      %dma_wait3A_210 = arith.constant 0 : i32
      %dma_wait3A_211 = arith.constant 0 : i32
      %dma_wait3A_212 = tpu.memref_slice %dma_wait3A_209[%dma_wait3A_210, %dma_wait3A_211] : memref<10000x64xf32, #tpu.memory_space<hbm>> -> memref<10000x64xf32, #tpu.memory_space<hbm>>
      tpu.wait_indirect_dma semaphore(%arg14 : memref<!tpu.dma_semaphore, #tpu.memory_space<semaphore_mem>>) src(%dma_wait3A_212 : memref<10000x64xf32, #tpu.memory_space<hbm>>) dst(%dma_wait3A_202 : memref<128x64xf32, #tpu.memory_space<vmem>>)
      %dma_start3A_213 = arith.constant 0 : i32
      %dma_start3A_214 = arith.constant 0 : i32
      %dma_start3A_215 = arith.constant 0 : i32
      %dma_start3A_216 = tpu.memref_slice %arg8[%dma_start3A_213, %dma_start3A_214, %dma_start3A_215] : memref<3x128x64xf32, #tpu.memory_space<vmem>> -> memref<1x128x64xf32, #tpu.memory_space<vmem>>
      %dma_start3A_217 = tpu.memref_squeeze %dma_start3A_216 : memref<1x128x64xf32, #tpu.memory_space<vmem>> -> memref<128x64xf32, #tpu.memory_space<vmem>>
      %dma_start3A_218 = arith.constant 0 : i32
      %dma_start3A_219 = tpu.memref_slice %arg7[%add3A_197, %dma_start3A_218] : memref<159x128xi32, #tpu.memory_space<vmem>> -> memref<1x128xi32, #tpu.memory_space<vmem>>
      %dma_start3A_220 = tpu.memref_squeeze %dma_start3A_219 : memref<1x128xi32, #tpu.memory_space<vmem>> -> memref<128xi32, #tpu.memory_space<vmem>>
      %dma_start3A_221 = arith.constant 0 : i32
      %dma_start3A_222 = arith.constant 0 : i32
      %dma_start3A_223 = tpu.memref_slice %arg12[%dma_start3A_221, %dma_start3A_222] : memref<10240x64xf32, #tpu.memory_space<vmem_shared>> -> memref<10240x64xf32, #tpu.memory_space<vmem_shared>>
      tpu.enqueue_indirect_dma source(%dma_start3A_217 : memref<128x64xf32, #tpu.memory_space<vmem>>) target(%dma_start3A_223 : memref<10240x64xf32, #tpu.memory_space<vmem_shared>>) offsets(%dma_start3A_220 : memref<128xi32, #tpu.memory_space<vmem>>) semaphore(%arg17 : memref<!tpu.dma_semaphore, #tpu.memory_space<semaphore_mem>>) {add = true}
      %lt3A = arith.constant 79 : i32
      %lt3A_224 = arith.cmpi slt, %add3A_197, %lt3A : i32
      %eq3A_225 = arith.constant 0 : i32
      %eq3A_226 = arith.cmpi eq, %arg0, %eq3A_225 : i32
      %eq3A_227 = arith.xori %lt3A_224, %eq3A_226 : i1
      %eq3A_228 = arith.constant true
      %eq3A_229 = arith.xori %eq3A_227, %eq3A_228 : i1
      %convert_element_type3A_230 = arith.extui %eq3A_229 : i1 to i32
      %cond3A_231 = arith.constant 0 : i32
      %cond3A_232 = arith.cmpi ne, %convert_element_type3A_230, %cond3A_231 : i32
      scf.if %cond3A_232 {
        %get3A = arith.index_cast %add3A_197 : i32 to index
        %get3A_342 = arith.constant 0 : index
        %get3A_343 = tpu.vector_load %arg7[%get3A, %get3A_342] {strides = array<i32>} : memref<159x128xi32, #tpu.memory_space<vmem>>, vector<16xi32>,
        %shift_right_logical3A = arith.constant 7 : i32
        %shift_right_logical3A_344 = vector.broadcast %shift_right_logical3A : i32 to vector<16xi32>
        %shift_right_logical3A_345 = arith.shrui %get3A_343, %shift_right_logical3A_344 : vector<16xi32>
        %and3A_346 = arith.constant 127 : i32
        %and3A_347 = vector.broadcast %and3A_346 : i32 to vector<16xi32>
        %and3A_348 = arith.andi %get3A_343, %and3A_347 : vector<16xi32>
        %broadcast_in_dim3A = arith.constant 1.000000e+00 : f32
        %broadcast_in_dim3A_349 = vector.broadcast %broadcast_in_dim3A : f32 to vector<16xf32>
        tpu.vector_store_idx %arg10[%shift_right_logical3A_345, %and3A_348], %broadcast_in_dim3A_349 {add = true} : memref<80x128xf32, #tpu.memory_space<vmem>>[vector<16xi32>, vector<16xi32>], vector<16xf32>,
        %get3A_350 = arith.index_cast %add3A_197 : i32 to index
        %get3A_351 = arith.constant 16 : index
        %get3A_352 = tpu.vector_load %arg7[%get3A_350, %get3A_351] {strides = array<i32>} : memref<159x128xi32, #tpu.memory_space<vmem>>, vector<16xi32>,
        %shift_right_logical3A_353 = arith.constant 7 : i32
        %shift_right_logical3A_354 = vector.broadcast %shift_right_logical3A_353 : i32 to vector<16xi32>
        %shift_right_logical3A_355 = arith.shrui %get3A_352, %shift_right_logical3A_354 : vector<16xi32>
        %and3A_356 = arith.constant 127 : i32
        %and3A_357 = vector.broadcast %and3A_356 : i32 to vector<16xi32>
        %and3A_358 = arith.andi %get3A_352, %and3A_357 : vector<16xi32>
        %broadcast_in_dim3A_359 = arith.constant 1.000000e+00 : f32
        %broadcast_in_dim3A_360 = vector.broadcast %broadcast_in_dim3A_359 : f32 to vector<16xf32>
        tpu.vector_store_idx %arg10[%shift_right_logical3A_355, %and3A_358], %broadcast_in_dim3A_360 {add = true} : memref<80x128xf32, #tpu.memory_space<vmem>>[vector<16xi32>, vector<16xi32>], vector<16xf32>,
        %get3A_361 = arith.index_cast %add3A_197 : i32 to index
        %get3A_362 = arith.constant 32 : index
        %get3A_363 = tpu.vector_load %arg7[%get3A_361, %get3A_362] {strides = array<i32>} : memref<159x128xi32, #tpu.memory_space<vmem>>, vector<16xi32>,
        %shift_right_logical3A_364 = arith.constant 7 : i32
        %shift_right_logical3A_365 = vector.broadcast %shift_right_logical3A_364 : i32 to vector<16xi32>
        %shift_right_logical3A_366 = arith.shrui %get3A_363, %shift_right_logical3A_365 : vector<16xi32>
        %and3A_367 = arith.constant 127 : i32
        %and3A_368 = vector.broadcast %and3A_367 : i32 to vector<16xi32>
        %and3A_369 = arith.andi %get3A_363, %and3A_368 : vector<16xi32>
        %broadcast_in_dim3A_370 = arith.constant 1.000000e+00 : f32
        %broadcast_in_dim3A_371 = vector.broadcast %broadcast_in_dim3A_370 : f32 to vector<16xf32>
        tpu.vector_store_idx %arg10[%shift_right_logical3A_366, %and3A_369], %broadcast_in_dim3A_371 {add = true} : memref<80x128xf32, #tpu.memory_space<vmem>>[vector<16xi32>, vector<16xi32>], vector<16xf32>,
        %get3A_372 = arith.index_cast %add3A_197 : i32 to index
        %get3A_373 = arith.constant 48 : index
        %get3A_374 = tpu.vector_load %arg7[%get3A_372, %get3A_373] {strides = array<i32>} : memref<159x128xi32, #tpu.memory_space<vmem>>, vector<16xi32>,
        %shift_right_logical3A_375 = arith.constant 7 : i32
        %shift_right_logical3A_376 = vector.broadcast %shift_right_logical3A_375 : i32 to vector<16xi32>
        %shift_right_logical3A_377 = arith.shrui %get3A_374, %shift_right_logical3A_376 : vector<16xi32>
        %and3A_378 = arith.constant 127 : i32
        %and3A_379 = vector.broadcast %and3A_378 : i32 to vector<16xi32>
        %and3A_380 = arith.andi %get3A_374, %and3A_379 : vector<16xi32>
        %broadcast_in_dim3A_381 = arith.constant 1.000000e+00 : f32
        %broadcast_in_dim3A_382 = vector.broadcast %broadcast_in_dim3A_381 : f32 to vector<16xf32>
        tpu.vector_store_idx %arg10[%shift_right_logical3A_377, %and3A_380], %broadcast_in_dim3A_382 {add = true} : memref<80x128xf32, #tpu.memory_space<vmem>>[vector<16xi32>, vector<16xi32>], vector<16xf32>,
        %get3A_383 = arith.index_cast %add3A_197 : i32 to index
        %get3A_384 = arith.constant 64 : index
        %get3A_385 = tpu.vector_load %arg7[%get3A_383, %get3A_384] {strides = array<i32>} : memref<159x128xi32, #tpu.memory_space<vmem>>, vector<16xi32>,
        %shift_right_logical3A_386 = arith.constant 7 : i32
        %shift_right_logical3A_387 = vector.broadcast %shift_right_logical3A_386 : i32 to vector<16xi32>
        %shift_right_logical3A_388 = arith.shrui %get3A_385, %shift_right_logical3A_387 : vector<16xi32>
        %and3A_389 = arith.constant 127 : i32
        %and3A_390 = vector.broadcast %and3A_389 : i32 to vector<16xi32>
        %and3A_391 = arith.andi %get3A_385, %and3A_390 : vector<16xi32>
        %broadcast_in_dim3A_392 = arith.constant 1.000000e+00 : f32
        %broadcast_in_dim3A_393 = vector.broadcast %broadcast_in_dim3A_392 : f32 to vector<16xf32>
        tpu.vector_store_idx %arg10[%shift_right_logical3A_388, %and3A_391], %broadcast_in_dim3A_393 {add = true} : memref<80x128xf32, #tpu.memory_space<vmem>>[vector<16xi32>, vector<16xi32>], vector<16xf32>,
        %get3A_394 = arith.index_cast %add3A_197 : i32 to index
        %get3A_395 = arith.constant 80 : index
        %get3A_396 = tpu.vector_load %arg7[%get3A_394, %get3A_395] {strides = array<i32>} : memref<159x128xi32, #tpu.memory_space<vmem>>, vector<16xi32>,
        %shift_right_logical3A_397 = arith.constant 7 : i32
        %shift_right_logical3A_398 = vector.broadcast %shift_right_logical3A_397 : i32 to vector<16xi32>
        %shift_right_logical3A_399 = arith.shrui %get3A_396, %shift_right_logical3A_398 : vector<16xi32>
        %and3A_400 = arith.constant 127 : i32
        %and3A_401 = vector.broadcast %and3A_400 : i32 to vector<16xi32>
        %and3A_402 = arith.andi %get3A_396, %and3A_401 : vector<16xi32>
        %broadcast_in_dim3A_403 = arith.constant 1.000000e+00 : f32
        %broadcast_in_dim3A_404 = vector.broadcast %broadcast_in_dim3A_403 : f32 to vector<16xf32>
        tpu.vector_store_idx %arg10[%shift_right_logical3A_399, %and3A_402], %broadcast_in_dim3A_404 {add = true} : memref<80x128xf32, #tpu.memory_space<vmem>>[vector<16xi32>, vector<16xi32>], vector<16xf32>,
        %get3A_405 = arith.index_cast %add3A_197 : i32 to index
        %get3A_406 = arith.constant 96 : index
        %get3A_407 = tpu.vector_load %arg7[%get3A_405, %get3A_406] {strides = array<i32>} : memref<159x128xi32, #tpu.memory_space<vmem>>, vector<16xi32>,
        %shift_right_logical3A_408 = arith.constant 7 : i32
        %shift_right_logical3A_409 = vector.broadcast %shift_right_logical3A_408 : i32 to vector<16xi32>
        %shift_right_logical3A_410 = arith.shrui %get3A_407, %shift_right_logical3A_409 : vector<16xi32>
        %and3A_411 = arith.constant 127 : i32
        %and3A_412 = vector.broadcast %and3A_411 : i32 to vector<16xi32>
        %and3A_413 = arith.andi %get3A_407, %and3A_412 : vector<16xi32>
        %broadcast_in_dim3A_414 = arith.constant 1.000000e+00 : f32
        %broadcast_in_dim3A_415 = vector.broadcast %broadcast_in_dim3A_414 : f32 to vector<16xf32>
        tpu.vector_store_idx %arg10[%shift_right_logical3A_410, %and3A_413], %broadcast_in_dim3A_415 {add = true} : memref<80x128xf32, #tpu.memory_space<vmem>>[vector<16xi32>, vector<16xi32>], vector<16xf32>,
        %get3A_416 = arith.index_cast %add3A_197 : i32 to index
        %get3A_417 = arith.constant 112 : index
        %get3A_418 = tpu.vector_load %arg7[%get3A_416, %get3A_417] {strides = array<i32>} : memref<159x128xi32, #tpu.memory_space<vmem>>, vector<16xi32>,
        %shift_right_logical3A_419 = arith.constant 7 : i32
        %shift_right_logical3A_420 = vector.broadcast %shift_right_logical3A_419 : i32 to vector<16xi32>
        %shift_right_logical3A_421 = arith.shrui %get3A_418, %shift_right_logical3A_420 : vector<16xi32>
        %and3A_422 = arith.constant 127 : i32
        %and3A_423 = vector.broadcast %and3A_422 : i32 to vector<16xi32>
        %and3A_424 = arith.andi %get3A_418, %and3A_423 : vector<16xi32>
        %broadcast_in_dim3A_425 = arith.constant 1.000000e+00 : f32
        %broadcast_in_dim3A_426 = vector.broadcast %broadcast_in_dim3A_425 : f32 to vector<16xf32>
        tpu.vector_store_idx %arg10[%shift_right_logical3A_421, %and3A_424], %broadcast_in_dim3A_426 {add = true} : memref<80x128xf32, #tpu.memory_space<vmem>>[vector<16xi32>, vector<16xi32>], vector<16xf32>,
      } else {
      }
      %sub3A = arith.constant 1 : i32
      %sub3A_233 = arith.subi %add3A_197, %sub3A : i32
      %ge3A = arith.constant 0 : i32
      %ge3A_234 = arith.cmpi sge, %sub3A_233, %ge3A : i32
      %add3A_235 = arith.constant 3 : i32
      %add3A_236 = arith.addi %sub3A_233, %add3A_235 : i32
      %lt3A_237 = arith.constant 159 : i32
      %lt3A_238 = arith.cmpi slt, %add3A_236, %lt3A_237 : i32
      %and3A = arith.andi %ge3A_234, %lt3A_238 : i1
      %convert_element_type3A_239 = arith.extui %and3A : i1 to i32
      %cond3A_240 = arith.constant 0 : i32
      %cond3A_241 = arith.cmpi ne, %convert_element_type3A_239, %cond3A_240 : i32
      scf.if %cond3A_241 {
        %dma_wait3A_342 = arith.constant 2 : i32
        %dma_wait3A_343 = arith.constant 0 : i32
        %dma_wait3A_344 = arith.constant 0 : i32
        %dma_wait3A_345 = tpu.memref_slice %arg8[%dma_wait3A_342, %dma_wait3A_343, %dma_wait3A_344] : memref<3x128x64xf32, #tpu.memory_space<vmem>> -> memref<1x128x64xf32, #tpu.memory_space<vmem>>
        %dma_wait3A_346 = tpu.memref_squeeze %dma_wait3A_345 : memref<1x128x64xf32, #tpu.memory_space<vmem>> -> memref<128x64xf32, #tpu.memory_space<vmem>>
        %dma_wait3A_347 = arith.constant 0 : i32
        %dma_wait3A_348 = tpu.memref_slice %arg7[%sub3A_233, %dma_wait3A_347] : memref<159x128xi32, #tpu.memory_space<vmem>> -> memref<1x128xi32, #tpu.memory_space<vmem>>
        %dma_wait3A_349 = tpu.memref_squeeze %dma_wait3A_348 : memref<1x128xi32, #tpu.memory_space<vmem>> -> memref<128xi32, #tpu.memory_space<vmem>>
        %dma_wait3A_350 = arith.constant 0 : i32
        %dma_wait3A_351 = arith.constant 0 : i32
        %dma_wait3A_352 = tpu.memref_slice %arg12[%dma_wait3A_350, %dma_wait3A_351] : memref<10240x64xf32, #tpu.memory_space<vmem_shared>> -> memref<10240x64xf32, #tpu.memory_space<vmem_shared>>
        tpu.wait_indirect_dma semaphore(%arg19 : memref<!tpu.dma_semaphore, #tpu.memory_space<semaphore_mem>>) src(%dma_wait3A_346 : memref<128x64xf32, #tpu.memory_space<vmem>>) dst(%dma_wait3A_352 : memref<10240x64xf32, #tpu.memory_space<vmem_shared>>)
        %add3A_353 = arith.constant 3 : i32
        %add3A_354 = arith.addi %sub3A_233, %add3A_353 : i32
        %dma_start3A_355 = arith.constant 2 : i32
        %dma_start3A_356 = arith.constant 0 : i32
        %dma_start3A_357 = arith.constant 0 : i32
        %dma_start3A_358 = tpu.memref_slice %arg8[%dma_start3A_355, %dma_start3A_356, %dma_start3A_357] : memref<3x128x64xf32, #tpu.memory_space<vmem>> -> memref<1x128x64xf32, #tpu.memory_space<vmem>>
        %dma_start3A_359 = tpu.memref_squeeze %dma_start3A_358 : memref<1x128x64xf32, #tpu.memory_space<vmem>> -> memref<128x64xf32, #tpu.memory_space<vmem>>
        %dma_start3A_360 = arith.constant 0 : i32
        %dma_start3A_361 = tpu.memref_slice %arg6[%add3A_354, %dma_start3A_360] : memref<159x128xi32, #tpu.memory_space<vmem>> -> memref<1x128xi32, #tpu.memory_space<vmem>>
        %dma_start3A_362 = tpu.memref_squeeze %dma_start3A_361 : memref<1x128xi32, #tpu.memory_space<vmem>> -> memref<128xi32, #tpu.memory_space<vmem>>
        %dma_start3A_363 = arith.constant 0 : i32
        %dma_start3A_364 = arith.constant 0 : i32
        %dma_start3A_365 = tpu.memref_slice %arg2[%arg0, %dma_start3A_363, %dma_start3A_364] : memref<2x10000x64xf32, #tpu.memory_space<hbm>> -> memref<1x10000x64xf32, #tpu.memory_space<hbm>>
        %dma_start3A_366 = tpu.memref_squeeze %dma_start3A_365 : memref<1x10000x64xf32, #tpu.memory_space<hbm>> -> memref<10000x64xf32, #tpu.memory_space<hbm>>
        %dma_start3A_367 = arith.constant 0 : i32
        %dma_start3A_368 = arith.constant 0 : i32
        %dma_start3A_369 = tpu.memref_slice %dma_start3A_366[%dma_start3A_367, %dma_start3A_368] : memref<10000x64xf32, #tpu.memory_space<hbm>> -> memref<10000x64xf32, #tpu.memory_space<hbm>>
        tpu.enqueue_indirect_dma source(%dma_start3A_369 : memref<10000x64xf32, #tpu.memory_space<hbm>>) target(%dma_start3A_359 : memref<128x64xf32, #tpu.memory_space<vmem>>) offsets(%dma_start3A_362 : memref<128xi32, #tpu.memory_space<vmem>>) semaphore(%arg16 : memref<!tpu.dma_semaphore, #tpu.memory_space<semaphore_mem>>)
      } else {
      }
      %add3A_242 = arith.constant 1 : i32
      %add3A_243 = arith.addi %add3A_195, %add3A_242 : i32
      %dma_wait3A_244 = arith.constant 1 : i32
      %dma_wait3A_245 = arith.constant 0 : i32
      %dma_wait3A_246 = arith.constant 0 : i32
      %dma_wait3A_247 = tpu.memref_slice %arg8[%dma_wait3A_244, %dma_wait3A_245, %dma_wait3A_246] : memref<3x128x64xf32, #tpu.memory_space<vmem>> -> memref<1x128x64xf32, #tpu.memory_space<vmem>>
      %dma_wait3A_248 = tpu.memref_squeeze %dma_wait3A_247 : memref<1x128x64xf32, #tpu.memory_space<vmem>> -> memref<128x64xf32, #tpu.memory_space<vmem>>
      %dma_wait3A_249 = arith.constant 0 : i32
      %dma_wait3A_250 = tpu.memref_slice %arg6[%add3A_243, %dma_wait3A_249] : memref<159x128xi32, #tpu.memory_space<vmem>> -> memref<1x128xi32, #tpu.memory_space<vmem>>
      %dma_wait3A_251 = tpu.memref_squeeze %dma_wait3A_250 : memref<1x128xi32, #tpu.memory_space<vmem>> -> memref<128xi32, #tpu.memory_space<vmem>>
      %dma_wait3A_252 = arith.constant 0 : i32
      %dma_wait3A_253 = arith.constant 0 : i32
      %dma_wait3A_254 = tpu.memref_slice %arg2[%arg0, %dma_wait3A_252, %dma_wait3A_253] : memref<2x10000x64xf32, #tpu.memory_space<hbm>> -> memref<1x10000x64xf32, #tpu.memory_space<hbm>>
      %dma_wait3A_255 = tpu.memref_squeeze %dma_wait3A_254 : memref<1x10000x64xf32, #tpu.memory_space<hbm>> -> memref<10000x64xf32, #tpu.memory_space<hbm>>
      %dma_wait3A_256 = arith.constant 0 : i32
      %dma_wait3A_257 = arith.constant 0 : i32
      %dma_wait3A_258 = tpu.memref_slice %dma_wait3A_255[%dma_wait3A_256, %dma_wait3A_257] : memref<10000x64xf32, #tpu.memory_space<hbm>> -> memref<10000x64xf32, #tpu.memory_space<hbm>>
      tpu.wait_indirect_dma semaphore(%arg15 : memref<!tpu.dma_semaphore, #tpu.memory_space<semaphore_mem>>) src(%dma_wait3A_258 : memref<10000x64xf32, #tpu.memory_space<hbm>>) dst(%dma_wait3A_248 : memref<128x64xf32, #tpu.memory_space<vmem>>)
      %dma_start3A_259 = arith.constant 1 : i32
      %dma_start3A_260 = arith.constant 0 : i32
      %dma_start3A_261 = arith.constant 0 : i32
      %dma_start3A_262 = tpu.memref_slice %arg8[%dma_start3A_259, %dma_start3A_260, %dma_start3A_261] : memref<3x128x64xf32, #tpu.memory_space<vmem>> -> memref<1x128x64xf32, #tpu.memory_space<vmem>>
      %dma_start3A_263 = tpu.memref_squeeze %dma_start3A_262 : memref<1x128x64xf32, #tpu.memory_space<vmem>> -> memref<128x64xf32, #tpu.memory_space<vmem>>
      %dma_start3A_264 = arith.constant 0 : i32
      %dma_start3A_265 = tpu.memref_slice %arg7[%add3A_243, %dma_start3A_264] : memref<159x128xi32, #tpu.memory_space<vmem>> -> memref<1x128xi32, #tpu.memory_space<vmem>>
      %dma_start3A_266 = tpu.memref_squeeze %dma_start3A_265 : memref<1x128xi32, #tpu.memory_space<vmem>> -> memref<128xi32, #tpu.memory_space<vmem>>
      %dma_start3A_267 = arith.constant 0 : i32
      %dma_start3A_268 = arith.constant 0 : i32
      %dma_start3A_269 = tpu.memref_slice %arg12[%dma_start3A_267, %dma_start3A_268] : memref<10240x64xf32, #tpu.memory_space<vmem_shared>> -> memref<10240x64xf32, #tpu.memory_space<vmem_shared>>
      tpu.enqueue_indirect_dma source(%dma_start3A_263 : memref<128x64xf32, #tpu.memory_space<vmem>>) target(%dma_start3A_269 : memref<10240x64xf32, #tpu.memory_space<vmem_shared>>) offsets(%dma_start3A_266 : memref<128xi32, #tpu.memory_space<vmem>>) semaphore(%arg18 : memref<!tpu.dma_semaphore, #tpu.memory_space<semaphore_mem>>) {add = true}
      %lt3A_270 = arith.constant 79 : i32
      %lt3A_271 = arith.cmpi slt, %add3A_243, %lt3A_270 : i32
      %eq3A_272 = arith.constant 0 : i32
      %eq3A_273 = arith.cmpi eq, %arg0, %eq3A_272 : i32
      %eq3A_274 = arith.xori %lt3A_271, %eq3A_273 : i1
      %eq3A_275 = arith.constant true
      %eq3A_276 = arith.xori %eq3A_274, %eq3A_275 : i1
      %convert_element_type3A_277 = arith.extui %eq3A_276 : i1 to i32
      %cond3A_278 = arith.constant 0 : i32
      %cond3A_279 = arith.cmpi ne, %convert_element_type3A_277, %cond3A_278 : i32
      scf.if %cond3A_279 {
        %get3A = arith.index_cast %add3A_243 : i32 to index
        %get3A_342 = arith.constant 0 : index
        %get3A_343 = tpu.vector_load %arg7[%get3A, %get3A_342] {strides = array<i32>} : memref<159x128xi32, #tpu.memory_space<vmem>>, vector<16xi32>,
        %shift_right_logical3A = arith.constant 7 : i32
        %shift_right_logical3A_344 = vector.broadcast %shift_right_logical3A : i32 to vector<16xi32>
        %shift_right_logical3A_345 = arith.shrui %get3A_343, %shift_right_logical3A_344 : vector<16xi32>
        %and3A_346 = arith.constant 127 : i32
        %and3A_347 = vector.broadcast %and3A_346 : i32 to vector<16xi32>
        %and3A_348 = arith.andi %get3A_343, %and3A_347 : vector<16xi32>
        %broadcast_in_dim3A = arith.constant 1.000000e+00 : f32
        %broadcast_in_dim3A_349 = vector.broadcast %broadcast_in_dim3A : f32 to vector<16xf32>
        tpu.vector_store_idx %arg10[%shift_right_logical3A_345, %and3A_348], %broadcast_in_dim3A_349 {add = true} : memref<80x128xf32, #tpu.memory_space<vmem>>[vector<16xi32>, vector<16xi32>], vector<16xf32>,
        %get3A_350 = arith.index_cast %add3A_243 : i32 to index
        %get3A_351 = arith.constant 16 : index
        %get3A_352 = tpu.vector_load %arg7[%get3A_350, %get3A_351] {strides = array<i32>} : memref<159x128xi32, #tpu.memory_space<vmem>>, vector<16xi32>,
        %shift_right_logical3A_353 = arith.constant 7 : i32
        %shift_right_logical3A_354 = vector.broadcast %shift_right_logical3A_353 : i32 to vector<16xi32>
        %shift_right_logical3A_355 = arith.shrui %get3A_352, %shift_right_logical3A_354 : vector<16xi32>
        %and3A_356 = arith.constant 127 : i32
        %and3A_357 = vector.broadcast %and3A_356 : i32 to vector<16xi32>
        %and3A_358 = arith.andi %get3A_352, %and3A_357 : vector<16xi32>
        %broadcast_in_dim3A_359 = arith.constant 1.000000e+00 : f32
        %broadcast_in_dim3A_360 = vector.broadcast %broadcast_in_dim3A_359 : f32 to vector<16xf32>
        tpu.vector_store_idx %arg10[%shift_right_logical3A_355, %and3A_358], %broadcast_in_dim3A_360 {add = true} : memref<80x128xf32, #tpu.memory_space<vmem>>[vector<16xi32>, vector<16xi32>], vector<16xf32>,
        %get3A_361 = arith.index_cast %add3A_243 : i32 to index
        %get3A_362 = arith.constant 32 : index
        %get3A_363 = tpu.vector_load %arg7[%get3A_361, %get3A_362] {strides = array<i32>} : memref<159x128xi32, #tpu.memory_space<vmem>>, vector<16xi32>,
        %shift_right_logical3A_364 = arith.constant 7 : i32
        %shift_right_logical3A_365 = vector.broadcast %shift_right_logical3A_364 : i32 to vector<16xi32>
        %shift_right_logical3A_366 = arith.shrui %get3A_363, %shift_right_logical3A_365 : vector<16xi32>
        %and3A_367 = arith.constant 127 : i32
        %and3A_368 = vector.broadcast %and3A_367 : i32 to vector<16xi32>
        %and3A_369 = arith.andi %get3A_363, %and3A_368 : vector<16xi32>
        %broadcast_in_dim3A_370 = arith.constant 1.000000e+00 : f32
        %broadcast_in_dim3A_371 = vector.broadcast %broadcast_in_dim3A_370 : f32 to vector<16xf32>
        tpu.vector_store_idx %arg10[%shift_right_logical3A_366, %and3A_369], %broadcast_in_dim3A_371 {add = true} : memref<80x128xf32, #tpu.memory_space<vmem>>[vector<16xi32>, vector<16xi32>], vector<16xf32>,
        %get3A_372 = arith.index_cast %add3A_243 : i32 to index
        %get3A_373 = arith.constant 48 : index
        %get3A_374 = tpu.vector_load %arg7[%get3A_372, %get3A_373] {strides = array<i32>} : memref<159x128xi32, #tpu.memory_space<vmem>>, vector<16xi32>,
        %shift_right_logical3A_375 = arith.constant 7 : i32
        %shift_right_logical3A_376 = vector.broadcast %shift_right_logical3A_375 : i32 to vector<16xi32>
        %shift_right_logical3A_377 = arith.shrui %get3A_374, %shift_right_logical3A_376 : vector<16xi32>
        %and3A_378 = arith.constant 127 : i32
        %and3A_379 = vector.broadcast %and3A_378 : i32 to vector<16xi32>
        %and3A_380 = arith.andi %get3A_374, %and3A_379 : vector<16xi32>
        %broadcast_in_dim3A_381 = arith.constant 1.000000e+00 : f32
        %broadcast_in_dim3A_382 = vector.broadcast %broadcast_in_dim3A_381 : f32 to vector<16xf32>
        tpu.vector_store_idx %arg10[%shift_right_logical3A_377, %and3A_380], %broadcast_in_dim3A_382 {add = true} : memref<80x128xf32, #tpu.memory_space<vmem>>[vector<16xi32>, vector<16xi32>], vector<16xf32>,
        %get3A_383 = arith.index_cast %add3A_243 : i32 to index
        %get3A_384 = arith.constant 64 : index
        %get3A_385 = tpu.vector_load %arg7[%get3A_383, %get3A_384] {strides = array<i32>} : memref<159x128xi32, #tpu.memory_space<vmem>>, vector<16xi32>,
        %shift_right_logical3A_386 = arith.constant 7 : i32
        %shift_right_logical3A_387 = vector.broadcast %shift_right_logical3A_386 : i32 to vector<16xi32>
        %shift_right_logical3A_388 = arith.shrui %get3A_385, %shift_right_logical3A_387 : vector<16xi32>
        %and3A_389 = arith.constant 127 : i32
        %and3A_390 = vector.broadcast %and3A_389 : i32 to vector<16xi32>
        %and3A_391 = arith.andi %get3A_385, %and3A_390 : vector<16xi32>
        %broadcast_in_dim3A_392 = arith.constant 1.000000e+00 : f32
        %broadcast_in_dim3A_393 = vector.broadcast %broadcast_in_dim3A_392 : f32 to vector<16xf32>
        tpu.vector_store_idx %arg10[%shift_right_logical3A_388, %and3A_391], %broadcast_in_dim3A_393 {add = true} : memref<80x128xf32, #tpu.memory_space<vmem>>[vector<16xi32>, vector<16xi32>], vector<16xf32>,
        %get3A_394 = arith.index_cast %add3A_243 : i32 to index
        %get3A_395 = arith.constant 80 : index
        %get3A_396 = tpu.vector_load %arg7[%get3A_394, %get3A_395] {strides = array<i32>} : memref<159x128xi32, #tpu.memory_space<vmem>>, vector<16xi32>,
        %shift_right_logical3A_397 = arith.constant 7 : i32
        %shift_right_logical3A_398 = vector.broadcast %shift_right_logical3A_397 : i32 to vector<16xi32>
        %shift_right_logical3A_399 = arith.shrui %get3A_396, %shift_right_logical3A_398 : vector<16xi32>
        %and3A_400 = arith.constant 127 : i32
        %and3A_401 = vector.broadcast %and3A_400 : i32 to vector<16xi32>
        %and3A_402 = arith.andi %get3A_396, %and3A_401 : vector<16xi32>
        %broadcast_in_dim3A_403 = arith.constant 1.000000e+00 : f32
        %broadcast_in_dim3A_404 = vector.broadcast %broadcast_in_dim3A_403 : f32 to vector<16xf32>
        tpu.vector_store_idx %arg10[%shift_right_logical3A_399, %and3A_402], %broadcast_in_dim3A_404 {add = true} : memref<80x128xf32, #tpu.memory_space<vmem>>[vector<16xi32>, vector<16xi32>], vector<16xf32>,
        %get3A_405 = arith.index_cast %add3A_243 : i32 to index
        %get3A_406 = arith.constant 96 : index
        %get3A_407 = tpu.vector_load %arg7[%get3A_405, %get3A_406] {strides = array<i32>} : memref<159x128xi32, #tpu.memory_space<vmem>>, vector<16xi32>,
        %shift_right_logical3A_408 = arith.constant 7 : i32
        %shift_right_logical3A_409 = vector.broadcast %shift_right_logical3A_408 : i32 to vector<16xi32>
        %shift_right_logical3A_410 = arith.shrui %get3A_407, %shift_right_logical3A_409 : vector<16xi32>
        %and3A_411 = arith.constant 127 : i32
        %and3A_412 = vector.broadcast %and3A_411 : i32 to vector<16xi32>
        %and3A_413 = arith.andi %get3A_407, %and3A_412 : vector<16xi32>
        %broadcast_in_dim3A_414 = arith.constant 1.000000e+00 : f32
        %broadcast_in_dim3A_415 = vector.broadcast %broadcast_in_dim3A_414 : f32 to vector<16xf32>
        tpu.vector_store_idx %arg10[%shift_right_logical3A_410, %and3A_413], %broadcast_in_dim3A_415 {add = true} : memref<80x128xf32, #tpu.memory_space<vmem>>[vector<16xi32>, vector<16xi32>], vector<16xf32>,
        %get3A_416 = arith.index_cast %add3A_243 : i32 to index
        %get3A_417 = arith.constant 112 : index
        %get3A_418 = tpu.vector_load %arg7[%get3A_416, %get3A_417] {strides = array<i32>} : memref<159x128xi32, #tpu.memory_space<vmem>>, vector<16xi32>,
        %shift_right_logical3A_419 = arith.constant 7 : i32
        %shift_right_logical3A_420 = vector.broadcast %shift_right_logical3A_419 : i32 to vector<16xi32>
        %shift_right_logical3A_421 = arith.shrui %get3A_418, %shift_right_logical3A_420 : vector<16xi32>
        %and3A_422 = arith.constant 127 : i32
        %and3A_423 = vector.broadcast %and3A_422 : i32 to vector<16xi32>
        %and3A_424 = arith.andi %get3A_418, %and3A_423 : vector<16xi32>
        %broadcast_in_dim3A_425 = arith.constant 1.000000e+00 : f32
        %broadcast_in_dim3A_426 = vector.broadcast %broadcast_in_dim3A_425 : f32 to vector<16xf32>
        tpu.vector_store_idx %arg10[%shift_right_logical3A_421, %and3A_424], %broadcast_in_dim3A_426 {add = true} : memref<80x128xf32, #tpu.memory_space<vmem>>[vector<16xi32>, vector<16xi32>], vector<16xf32>,
      } else {
      }
      %sub3A_280 = arith.constant 1 : i32
      %sub3A_281 = arith.subi %add3A_243, %sub3A_280 : i32
      %ge3A_282 = arith.constant 0 : i32
      %ge3A_283 = arith.cmpi sge, %sub3A_281, %ge3A_282 : i32
      %add3A_284 = arith.constant 3 : i32
      %add3A_285 = arith.addi %sub3A_281, %add3A_284 : i32
      %lt3A_286 = arith.constant 159 : i32
      %lt3A_287 = arith.cmpi slt, %add3A_285, %lt3A_286 : i32
      %and3A_288 = arith.andi %ge3A_283, %lt3A_287 : i1
      %convert_element_type3A_289 = arith.extui %and3A_288 : i1 to i32
      %cond3A_290 = arith.constant 0 : i32
      %cond3A_291 = arith.cmpi ne, %convert_element_type3A_289, %cond3A_290 : i32
      scf.if %cond3A_291 {
        %dma_wait3A_342 = arith.constant 0 : i32
        %dma_wait3A_343 = arith.constant 0 : i32
        %dma_wait3A_344 = arith.constant 0 : i32
        %dma_wait3A_345 = tpu.memref_slice %arg8[%dma_wait3A_342, %dma_wait3A_343, %dma_wait3A_344] : memref<3x128x64xf32, #tpu.memory_space<vmem>> -> memref<1x128x64xf32, #tpu.memory_space<vmem>>
        %dma_wait3A_346 = tpu.memref_squeeze %dma_wait3A_345 : memref<1x128x64xf32, #tpu.memory_space<vmem>> -> memref<128x64xf32, #tpu.memory_space<vmem>>
        %dma_wait3A_347 = arith.constant 0 : i32
        %dma_wait3A_348 = tpu.memref_slice %arg7[%sub3A_281, %dma_wait3A_347] : memref<159x128xi32, #tpu.memory_space<vmem>> -> memref<1x128xi32, #tpu.memory_space<vmem>>
        %dma_wait3A_349 = tpu.memref_squeeze %dma_wait3A_348 : memref<1x128xi32, #tpu.memory_space<vmem>> -> memref<128xi32, #tpu.memory_space<vmem>>
        %dma_wait3A_350 = arith.constant 0 : i32
        %dma_wait3A_351 = arith.constant 0 : i32
        %dma_wait3A_352 = tpu.memref_slice %arg12[%dma_wait3A_350, %dma_wait3A_351] : memref<10240x64xf32, #tpu.memory_space<vmem_shared>> -> memref<10240x64xf32, #tpu.memory_space<vmem_shared>>
        tpu.wait_indirect_dma semaphore(%arg17 : memref<!tpu.dma_semaphore, #tpu.memory_space<semaphore_mem>>) src(%dma_wait3A_346 : memref<128x64xf32, #tpu.memory_space<vmem>>) dst(%dma_wait3A_352 : memref<10240x64xf32, #tpu.memory_space<vmem_shared>>)
        %add3A_353 = arith.constant 3 : i32
        %add3A_354 = arith.addi %sub3A_281, %add3A_353 : i32
        %dma_start3A_355 = arith.constant 0 : i32
        %dma_start3A_356 = arith.constant 0 : i32
        %dma_start3A_357 = arith.constant 0 : i32
        %dma_start3A_358 = tpu.memref_slice %arg8[%dma_start3A_355, %dma_start3A_356, %dma_start3A_357] : memref<3x128x64xf32, #tpu.memory_space<vmem>> -> memref<1x128x64xf32, #tpu.memory_space<vmem>>
        %dma_start3A_359 = tpu.memref_squeeze %dma_start3A_358 : memref<1x128x64xf32, #tpu.memory_space<vmem>> -> memref<128x64xf32, #tpu.memory_space<vmem>>
        %dma_start3A_360 = arith.constant 0 : i32
        %dma_start3A_361 = tpu.memref_slice %arg6[%add3A_354, %dma_start3A_360] : memref<159x128xi32, #tpu.memory_space<vmem>> -> memref<1x128xi32, #tpu.memory_space<vmem>>
        %dma_start3A_362 = tpu.memref_squeeze %dma_start3A_361 : memref<1x128xi32, #tpu.memory_space<vmem>> -> memref<128xi32, #tpu.memory_space<vmem>>
        %dma_start3A_363 = arith.constant 0 : i32
        %dma_start3A_364 = arith.constant 0 : i32
        %dma_start3A_365 = tpu.memref_slice %arg2[%arg0, %dma_start3A_363, %dma_start3A_364] : memref<2x10000x64xf32, #tpu.memory_space<hbm>> -> memref<1x10000x64xf32, #tpu.memory_space<hbm>>
        %dma_start3A_366 = tpu.memref_squeeze %dma_start3A_365 : memref<1x10000x64xf32, #tpu.memory_space<hbm>> -> memref<10000x64xf32, #tpu.memory_space<hbm>>
        %dma_start3A_367 = arith.constant 0 : i32
        %dma_start3A_368 = arith.constant 0 : i32
        %dma_start3A_369 = tpu.memref_slice %dma_start3A_366[%dma_start3A_367, %dma_start3A_368] : memref<10000x64xf32, #tpu.memory_space<hbm>> -> memref<10000x64xf32, #tpu.memory_space<hbm>>
        tpu.enqueue_indirect_dma source(%dma_start3A_369 : memref<10000x64xf32, #tpu.memory_space<hbm>>) target(%dma_start3A_359 : memref<128x64xf32, #tpu.memory_space<vmem>>) offsets(%dma_start3A_362 : memref<128xi32, #tpu.memory_space<vmem>>) semaphore(%arg14 : memref<!tpu.dma_semaphore, #tpu.memory_space<semaphore_mem>>)
      } else {
      }
      %add3A_292 = arith.constant 2 : i32
      %add3A_293 = arith.addi %add3A_195, %add3A_292 : i32
      %dma_wait3A_294 = arith.constant 2 : i32
      %dma_wait3A_295 = arith.constant 0 : i32
      %dma_wait3A_296 = arith.constant 0 : i32
      %dma_wait3A_297 = tpu.memref_slice %arg8[%dma_wait3A_294, %dma_wait3A_295, %dma_wait3A_296] : memref<3x128x64xf32, #tpu.memory_space<vmem>> -> memref<1x128x64xf32, #tpu.memory_space<vmem>>
      %dma_wait3A_298 = tpu.memref_squeeze %dma_wait3A_297 : memref<1x128x64xf32, #tpu.memory_space<vmem>> -> memref<128x64xf32, #tpu.memory_space<vmem>>
      %dma_wait3A_299 = arith.constant 0 : i32
      %dma_wait3A_300 = tpu.memref_slice %arg6[%add3A_293, %dma_wait3A_299] : memref<159x128xi32, #tpu.memory_space<vmem>> -> memref<1x128xi32, #tpu.memory_space<vmem>>
      %dma_wait3A_301 = tpu.memref_squeeze %dma_wait3A_300 : memref<1x128xi32, #tpu.memory_space<vmem>> -> memref<128xi32, #tpu.memory_space<vmem>>
      %dma_wait3A_302 = arith.constant 0 : i32
      %dma_wait3A_303 = arith.constant 0 : i32
      %dma_wait3A_304 = tpu.memref_slice %arg2[%arg0, %dma_wait3A_302, %dma_wait3A_303] : memref<2x10000x64xf32, #tpu.memory_space<hbm>> -> memref<1x10000x64xf32, #tpu.memory_space<hbm>>
      %dma_wait3A_305 = tpu.memref_squeeze %dma_wait3A_304 : memref<1x10000x64xf32, #tpu.memory_space<hbm>> -> memref<10000x64xf32, #tpu.memory_space<hbm>>
      %dma_wait3A_306 = arith.constant 0 : i32
      %dma_wait3A_307 = arith.constant 0 : i32
      %dma_wait3A_308 = tpu.memref_slice %dma_wait3A_305[%dma_wait3A_306, %dma_wait3A_307] : memref<10000x64xf32, #tpu.memory_space<hbm>> -> memref<10000x64xf32, #tpu.memory_space<hbm>>
      tpu.wait_indirect_dma semaphore(%arg16 : memref<!tpu.dma_semaphore, #tpu.memory_space<semaphore_mem>>) src(%dma_wait3A_308 : memref<10000x64xf32, #tpu.memory_space<hbm>>) dst(%dma_wait3A_298 : memref<128x64xf32, #tpu.memory_space<vmem>>)
      %dma_start3A_309 = arith.constant 2 : i32
      %dma_start3A_310 = arith.constant 0 : i32
      %dma_start3A_311 = arith.constant 0 : i32
      %dma_start3A_312 = tpu.memref_slice %arg8[%dma_start3A_309, %dma_start3A_310, %dma_start3A_311] : memref<3x128x64xf32, #tpu.memory_space<vmem>> -> memref<1x128x64xf32, #tpu.memory_space<vmem>>
      %dma_start3A_313 = tpu.memref_squeeze %dma_start3A_312 : memref<1x128x64xf32, #tpu.memory_space<vmem>> -> memref<128x64xf32, #tpu.memory_space<vmem>>
      %dma_start3A_314 = arith.constant 0 : i32
      %dma_start3A_315 = tpu.memref_slice %arg7[%add3A_293, %dma_start3A_314] : memref<159x128xi32, #tpu.memory_space<vmem>> -> memref<1x128xi32, #tpu.memory_space<vmem>>
      %dma_start3A_316 = tpu.memref_squeeze %dma_start3A_315 : memref<1x128xi32, #tpu.memory_space<vmem>> -> memref<128xi32, #tpu.memory_space<vmem>>
      %dma_start3A_317 = arith.constant 0 : i32
      %dma_start3A_318 = arith.constant 0 : i32
      %dma_start3A_319 = tpu.memref_slice %arg12[%dma_start3A_317, %dma_start3A_318] : memref<10240x64xf32, #tpu.memory_space<vmem_shared>> -> memref<10240x64xf32, #tpu.memory_space<vmem_shared>>
      tpu.enqueue_indirect_dma source(%dma_start3A_313 : memref<128x64xf32, #tpu.memory_space<vmem>>) target(%dma_start3A_319 : memref<10240x64xf32, #tpu.memory_space<vmem_shared>>) offsets(%dma_start3A_316 : memref<128xi32, #tpu.memory_space<vmem>>) semaphore(%arg19 : memref<!tpu.dma_semaphore, #tpu.memory_space<semaphore_mem>>) {add = true}
      %lt3A_320 = arith.constant 79 : i32
      %lt3A_321 = arith.cmpi slt, %add3A_293, %lt3A_320 : i32
      %eq3A_322 = arith.constant 0 : i32
      %eq3A_323 = arith.cmpi eq, %arg0, %eq3A_322 : i32
      %eq3A_324 = arith.xori %lt3A_321, %eq3A_323 : i1
      %eq3A_325 = arith.constant true
      %eq3A_326 = arith.xori %eq3A_324, %eq3A_325 : i1
      %convert_element_type3A_327 = arith.extui %eq3A_326 : i1 to i32
      %cond3A_328 = arith.constant 0 : i32
      %cond3A_329 = arith.cmpi ne, %convert_element_type3A_327, %cond3A_328 : i32
      scf.if %cond3A_329 {
        %get3A = arith.index_cast %add3A_293 : i32 to index
        %get3A_342 = arith.constant 0 : index
        %get3A_343 = tpu.vector_load %arg7[%get3A, %get3A_342] {strides = array<i32>} : memref<159x128xi32, #tpu.memory_space<vmem>>, vector<16xi32>,
        %shift_right_logical3A = arith.constant 7 : i32
        %shift_right_logical3A_344 = vector.broadcast %shift_right_logical3A : i32 to vector<16xi32>
        %shift_right_logical3A_345 = arith.shrui %get3A_343, %shift_right_logical3A_344 : vector<16xi32>
        %and3A_346 = arith.constant 127 : i32
        %and3A_347 = vector.broadcast %and3A_346 : i32 to vector<16xi32>
        %and3A_348 = arith.andi %get3A_343, %and3A_347 : vector<16xi32>
        %broadcast_in_dim3A = arith.constant 1.000000e+00 : f32
        %broadcast_in_dim3A_349 = vector.broadcast %broadcast_in_dim3A : f32 to vector<16xf32>
        tpu.vector_store_idx %arg10[%shift_right_logical3A_345, %and3A_348], %broadcast_in_dim3A_349 {add = true} : memref<80x128xf32, #tpu.memory_space<vmem>>[vector<16xi32>, vector<16xi32>], vector<16xf32>,
        %get3A_350 = arith.index_cast %add3A_293 : i32 to index
        %get3A_351 = arith.constant 16 : index
        %get3A_352 = tpu.vector_load %arg7[%get3A_350, %get3A_351] {strides = array<i32>} : memref<159x128xi32, #tpu.memory_space<vmem>>, vector<16xi32>,
        %shift_right_logical3A_353 = arith.constant 7 : i32
        %shift_right_logical3A_354 = vector.broadcast %shift_right_logical3A_353 : i32 to vector<16xi32>
        %shift_right_logical3A_355 = arith.shrui %get3A_352, %shift_right_logical3A_354 : vector<16xi32>
        %and3A_356 = arith.constant 127 : i32
        %and3A_357 = vector.broadcast %and3A_356 : i32 to vector<16xi32>
        %and3A_358 = arith.andi %get3A_352, %and3A_357 : vector<16xi32>
        %broadcast_in_dim3A_359 = arith.constant 1.000000e+00 : f32
        %broadcast_in_dim3A_360 = vector.broadcast %broadcast_in_dim3A_359 : f32 to vector<16xf32>
        tpu.vector_store_idx %arg10[%shift_right_logical3A_355, %and3A_358], %broadcast_in_dim3A_360 {add = true} : memref<80x128xf32, #tpu.memory_space<vmem>>[vector<16xi32>, vector<16xi32>], vector<16xf32>,
        %get3A_361 = arith.index_cast %add3A_293 : i32 to index
        %get3A_362 = arith.constant 32 : index
        %get3A_363 = tpu.vector_load %arg7[%get3A_361, %get3A_362] {strides = array<i32>} : memref<159x128xi32, #tpu.memory_space<vmem>>, vector<16xi32>,
        %shift_right_logical3A_364 = arith.constant 7 : i32
        %shift_right_logical3A_365 = vector.broadcast %shift_right_logical3A_364 : i32 to vector<16xi32>
        %shift_right_logical3A_366 = arith.shrui %get3A_363, %shift_right_logical3A_365 : vector<16xi32>
        %and3A_367 = arith.constant 127 : i32
        %and3A_368 = vector.broadcast %and3A_367 : i32 to vector<16xi32>
        %and3A_369 = arith.andi %get3A_363, %and3A_368 : vector<16xi32>
        %broadcast_in_dim3A_370 = arith.constant 1.000000e+00 : f32
        %broadcast_in_dim3A_371 = vector.broadcast %broadcast_in_dim3A_370 : f32 to vector<16xf32>
        tpu.vector_store_idx %arg10[%shift_right_logical3A_366, %and3A_369], %broadcast_in_dim3A_371 {add = true} : memref<80x128xf32, #tpu.memory_space<vmem>>[vector<16xi32>, vector<16xi32>], vector<16xf32>,
        %get3A_372 = arith.index_cast %add3A_293 : i32 to index
        %get3A_373 = arith.constant 48 : index
        %get3A_374 = tpu.vector_load %arg7[%get3A_372, %get3A_373] {strides = array<i32>} : memref<159x128xi32, #tpu.memory_space<vmem>>, vector<16xi32>,
        %shift_right_logical3A_375 = arith.constant 7 : i32
        %shift_right_logical3A_376 = vector.broadcast %shift_right_logical3A_375 : i32 to vector<16xi32>
        %shift_right_logical3A_377 = arith.shrui %get3A_374, %shift_right_logical3A_376 : vector<16xi32>
        %and3A_378 = arith.constant 127 : i32
        %and3A_379 = vector.broadcast %and3A_378 : i32 to vector<16xi32>
        %and3A_380 = arith.andi %get3A_374, %and3A_379 : vector<16xi32>
        %broadcast_in_dim3A_381 = arith.constant 1.000000e+00 : f32
        %broadcast_in_dim3A_382 = vector.broadcast %broadcast_in_dim3A_381 : f32 to vector<16xf32>
        tpu.vector_store_idx %arg10[%shift_right_logical3A_377, %and3A_380], %broadcast_in_dim3A_382 {add = true} : memref<80x128xf32, #tpu.memory_space<vmem>>[vector<16xi32>, vector<16xi32>], vector<16xf32>,
        %get3A_383 = arith.index_cast %add3A_293 : i32 to index
        %get3A_384 = arith.constant 64 : index
        %get3A_385 = tpu.vector_load %arg7[%get3A_383, %get3A_384] {strides = array<i32>} : memref<159x128xi32, #tpu.memory_space<vmem>>, vector<16xi32>,
        %shift_right_logical3A_386 = arith.constant 7 : i32
        %shift_right_logical3A_387 = vector.broadcast %shift_right_logical3A_386 : i32 to vector<16xi32>
        %shift_right_logical3A_388 = arith.shrui %get3A_385, %shift_right_logical3A_387 : vector<16xi32>
        %and3A_389 = arith.constant 127 : i32
        %and3A_390 = vector.broadcast %and3A_389 : i32 to vector<16xi32>
        %and3A_391 = arith.andi %get3A_385, %and3A_390 : vector<16xi32>
        %broadcast_in_dim3A_392 = arith.constant 1.000000e+00 : f32
        %broadcast_in_dim3A_393 = vector.broadcast %broadcast_in_dim3A_392 : f32 to vector<16xf32>
        tpu.vector_store_idx %arg10[%shift_right_logical3A_388, %and3A_391], %broadcast_in_dim3A_393 {add = true} : memref<80x128xf32, #tpu.memory_space<vmem>>[vector<16xi32>, vector<16xi32>], vector<16xf32>,
        %get3A_394 = arith.index_cast %add3A_293 : i32 to index
        %get3A_395 = arith.constant 80 : index
        %get3A_396 = tpu.vector_load %arg7[%get3A_394, %get3A_395] {strides = array<i32>} : memref<159x128xi32, #tpu.memory_space<vmem>>, vector<16xi32>,
        %shift_right_logical3A_397 = arith.constant 7 : i32
        %shift_right_logical3A_398 = vector.broadcast %shift_right_logical3A_397 : i32 to vector<16xi32>
        %shift_right_logical3A_399 = arith.shrui %get3A_396, %shift_right_logical3A_398 : vector<16xi32>
        %and3A_400 = arith.constant 127 : i32
        %and3A_401 = vector.broadcast %and3A_400 : i32 to vector<16xi32>
        %and3A_402 = arith.andi %get3A_396, %and3A_401 : vector<16xi32>
        %broadcast_in_dim3A_403 = arith.constant 1.000000e+00 : f32
        %broadcast_in_dim3A_404 = vector.broadcast %broadcast_in_dim3A_403 : f32 to vector<16xf32>
        tpu.vector_store_idx %arg10[%shift_right_logical3A_399, %and3A_402], %broadcast_in_dim3A_404 {add = true} : memref<80x128xf32, #tpu.memory_space<vmem>>[vector<16xi32>, vector<16xi32>], vector<16xf32>,
        %get3A_405 = arith.index_cast %add3A_293 : i32 to index
        %get3A_406 = arith.constant 96 : index
        %get3A_407 = tpu.vector_load %arg7[%get3A_405, %get3A_406] {strides = array<i32>} : memref<159x128xi32, #tpu.memory_space<vmem>>, vector<16xi32>,
        %shift_right_logical3A_408 = arith.constant 7 : i32
        %shift_right_logical3A_409 = vector.broadcast %shift_right_logical3A_408 : i32 to vector<16xi32>
        %shift_right_logical3A_410 = arith.shrui %get3A_407, %shift_right_logical3A_409 : vector<16xi32>
        %and3A_411 = arith.constant 127 : i32
        %and3A_412 = vector.broadcast %and3A_411 : i32 to vector<16xi32>
        %and3A_413 = arith.andi %get3A_407, %and3A_412 : vector<16xi32>
        %broadcast_in_dim3A_414 = arith.constant 1.000000e+00 : f32
        %broadcast_in_dim3A_415 = vector.broadcast %broadcast_in_dim3A_414 : f32 to vector<16xf32>
        tpu.vector_store_idx %arg10[%shift_right_logical3A_410, %and3A_413], %broadcast_in_dim3A_415 {add = true} : memref<80x128xf32, #tpu.memory_space<vmem>>[vector<16xi32>, vector<16xi32>], vector<16xf32>,
        %get3A_416 = arith.index_cast %add3A_293 : i32 to index
        %get3A_417 = arith.constant 112 : index
        %get3A_418 = tpu.vector_load %arg7[%get3A_416, %get3A_417] {strides = array<i32>} : memref<159x128xi32, #tpu.memory_space<vmem>>, vector<16xi32>,
        %shift_right_logical3A_419 = arith.constant 7 : i32
        %shift_right_logical3A_420 = vector.broadcast %shift_right_logical3A_419 : i32 to vector<16xi32>
        %shift_right_logical3A_421 = arith.shrui %get3A_418, %shift_right_logical3A_420 : vector<16xi32>
        %and3A_422 = arith.constant 127 : i32
        %and3A_423 = vector.broadcast %and3A_422 : i32 to vector<16xi32>
        %and3A_424 = arith.andi %get3A_418, %and3A_423 : vector<16xi32>
        %broadcast_in_dim3A_425 = arith.constant 1.000000e+00 : f32
        %broadcast_in_dim3A_426 = vector.broadcast %broadcast_in_dim3A_425 : f32 to vector<16xf32>
        tpu.vector_store_idx %arg10[%shift_right_logical3A_421, %and3A_424], %broadcast_in_dim3A_426 {add = true} : memref<80x128xf32, #tpu.memory_space<vmem>>[vector<16xi32>, vector<16xi32>], vector<16xf32>,
      } else {
      }
      %sub3A_330 = arith.constant 1 : i32
      %sub3A_331 = arith.subi %add3A_293, %sub3A_330 : i32
      %ge3A_332 = arith.constant 0 : i32
      %ge3A_333 = arith.cmpi sge, %sub3A_331, %ge3A_332 : i32
      %add3A_334 = arith.constant 3 : i32
      %add3A_335 = arith.addi %sub3A_331, %add3A_334 : i32
      %lt3A_336 = arith.constant 159 : i32
      %lt3A_337 = arith.cmpi slt, %add3A_335, %lt3A_336 : i32
      %and3A_338 = arith.andi %ge3A_333, %lt3A_337 : i1
      %convert_element_type3A_339 = arith.extui %and3A_338 : i1 to i32
      %cond3A_340 = arith.constant 0 : i32
      %cond3A_341 = arith.cmpi ne, %convert_element_type3A_339, %cond3A_340 : i32
      scf.if %cond3A_341 {
        %dma_wait3A_342 = arith.constant 1 : i32
        %dma_wait3A_343 = arith.constant 0 : i32
        %dma_wait3A_344 = arith.constant 0 : i32
        %dma_wait3A_345 = tpu.memref_slice %arg8[%dma_wait3A_342, %dma_wait3A_343, %dma_wait3A_344] : memref<3x128x64xf32, #tpu.memory_space<vmem>> -> memref<1x128x64xf32, #tpu.memory_space<vmem>>
        %dma_wait3A_346 = tpu.memref_squeeze %dma_wait3A_345 : memref<1x128x64xf32, #tpu.memory_space<vmem>> -> memref<128x64xf32, #tpu.memory_space<vmem>>
        %dma_wait3A_347 = arith.constant 0 : i32
        %dma_wait3A_348 = tpu.memref_slice %arg7[%sub3A_331, %dma_wait3A_347] : memref<159x128xi32, #tpu.memory_space<vmem>> -> memref<1x128xi32, #tpu.memory_space<vmem>>
        %dma_wait3A_349 = tpu.memref_squeeze %dma_wait3A_348 : memref<1x128xi32, #tpu.memory_space<vmem>> -> memref<128xi32, #tpu.memory_space<vmem>>
        %dma_wait3A_350 = arith.constant 0 : i32
        %dma_wait3A_351 = arith.constant 0 : i32
        %dma_wait3A_352 = tpu.memref_slice %arg12[%dma_wait3A_350, %dma_wait3A_351] : memref<10240x64xf32, #tpu.memory_space<vmem_shared>> -> memref<10240x64xf32, #tpu.memory_space<vmem_shared>>
        tpu.wait_indirect_dma semaphore(%arg18 : memref<!tpu.dma_semaphore, #tpu.memory_space<semaphore_mem>>) src(%dma_wait3A_346 : memref<128x64xf32, #tpu.memory_space<vmem>>) dst(%dma_wait3A_352 : memref<10240x64xf32, #tpu.memory_space<vmem_shared>>)
        %add3A_353 = arith.constant 3 : i32
        %add3A_354 = arith.addi %sub3A_331, %add3A_353 : i32
        %dma_start3A_355 = arith.constant 1 : i32
        %dma_start3A_356 = arith.constant 0 : i32
        %dma_start3A_357 = arith.constant 0 : i32
        %dma_start3A_358 = tpu.memref_slice %arg8[%dma_start3A_355, %dma_start3A_356, %dma_start3A_357] : memref<3x128x64xf32, #tpu.memory_space<vmem>> -> memref<1x128x64xf32, #tpu.memory_space<vmem>>
        %dma_start3A_359 = tpu.memref_squeeze %dma_start3A_358 : memref<1x128x64xf32, #tpu.memory_space<vmem>> -> memref<128x64xf32, #tpu.memory_space<vmem>>
        %dma_start3A_360 = arith.constant 0 : i32
        %dma_start3A_361 = tpu.memref_slice %arg6[%add3A_354, %dma_start3A_360] : memref<159x128xi32, #tpu.memory_space<vmem>> -> memref<1x128xi32, #tpu.memory_space<vmem>>
        %dma_start3A_362 = tpu.memref_squeeze %dma_start3A_361 : memref<1x128xi32, #tpu.memory_space<vmem>> -> memref<128xi32, #tpu.memory_space<vmem>>
        %dma_start3A_363 = arith.constant 0 : i32
        %dma_start3A_364 = arith.constant 0 : i32
        %dma_start3A_365 = tpu.memref_slice %arg2[%arg0, %dma_start3A_363, %dma_start3A_364] : memref<2x10000x64xf32, #tpu.memory_space<hbm>> -> memref<1x10000x64xf32, #tpu.memory_space<hbm>>
        %dma_start3A_366 = tpu.memref_squeeze %dma_start3A_365 : memref<1x10000x64xf32, #tpu.memory_space<hbm>> -> memref<10000x64xf32, #tpu.memory_space<hbm>>
        %dma_start3A_367 = arith.constant 0 : i32
        %dma_start3A_368 = arith.constant 0 : i32
        %dma_start3A_369 = tpu.memref_slice %dma_start3A_366[%dma_start3A_367, %dma_start3A_368] : memref<10000x64xf32, #tpu.memory_space<hbm>> -> memref<10000x64xf32, #tpu.memory_space<hbm>>
        tpu.enqueue_indirect_dma source(%dma_start3A_369 : memref<10000x64xf32, #tpu.memory_space<hbm>>) target(%dma_start3A_359 : memref<128x64xf32, #tpu.memory_space<vmem>>) offsets(%dma_start3A_362 : memref<128xi32, #tpu.memory_space<vmem>>) semaphore(%arg15 : memref<!tpu.dma_semaphore, #tpu.memory_space<semaphore_mem>>)
      } else {
      }
    }
    %scan3A_147 = arith.constant 53 : i32
    %dma_wait3A_148 = arith.constant 0 : i32
    %dma_wait3A_149 = arith.constant 0 : i32
    %dma_wait3A_150 = arith.constant 0 : i32
    %dma_wait3A_151 = arith.constant 0 : i32
    %dma_wait3A_152 = tpu.memref_slice %arg8[%dma_wait3A_148, %dma_wait3A_150, %dma_wait3A_151] : memref<3x128x64xf32, #tpu.memory_space<vmem>> -> memref<1x128x64xf32, #tpu.memory_space<vmem>>
    %dma_wait3A_153 = tpu.memref_squeeze %dma_wait3A_152 : memref<1x128x64xf32, #tpu.memory_space<vmem>> -> memref<128x64xf32, #tpu.memory_space<vmem>>
    %dma_wait3A_154 = arith.constant 0 : i32
    %dma_wait3A_155 = tpu.memref_slice %arg7[%dma_wait3A_149, %dma_wait3A_154] : memref<159x128xi32, #tpu.memory_space<vmem>> -> memref<1x128xi32, #tpu.memory_space<vmem>>
    %dma_wait3A_156 = tpu.memref_squeeze %dma_wait3A_155 : memref<1x128xi32, #tpu.memory_space<vmem>> -> memref<128xi32, #tpu.memory_space<vmem>>
    %dma_wait3A_157 = arith.constant 0 : i32
    %dma_wait3A_158 = arith.constant 0 : i32
    %dma_wait3A_159 = tpu.memref_slice %arg12[%dma_wait3A_157, %dma_wait3A_158] : memref<10240x64xf32, #tpu.memory_space<vmem_shared>> -> memref<10240x64xf32, #tpu.memory_space<vmem_shared>>
    tpu.wait_indirect_dma semaphore(%arg17 : memref<!tpu.dma_semaphore, #tpu.memory_space<semaphore_mem>>) src(%dma_wait3A_153 : memref<128x64xf32, #tpu.memory_space<vmem>>) dst(%dma_wait3A_159 : memref<10240x64xf32, #tpu.memory_space<vmem_shared>>)
    %dma_wait3A_160 = arith.constant 1 : i32
    %dma_wait3A_161 = arith.constant 0 : i32
    %dma_wait3A_162 = arith.constant 0 : i32
    %dma_wait3A_163 = arith.constant 0 : i32
    %dma_wait3A_164 = tpu.memref_slice %arg8[%dma_wait3A_160, %dma_wait3A_162, %dma_wait3A_163] : memref<3x128x64xf32, #tpu.memory_space<vmem>> -> memref<1x128x64xf32, #tpu.memory_space<vmem>>
    %dma_wait3A_165 = tpu.memref_squeeze %dma_wait3A_164 : memref<1x128x64xf32, #tpu.memory_space<vmem>> -> memref<128x64xf32, #tpu.memory_space<vmem>>
    %dma_wait3A_166 = arith.constant 0 : i32
    %dma_wait3A_167 = tpu.memref_slice %arg7[%dma_wait3A_161, %dma_wait3A_166] : memref<159x128xi32, #tpu.memory_space<vmem>> -> memref<1x128xi32, #tpu.memory_space<vmem>>
    %dma_wait3A_168 = tpu.memref_squeeze %dma_wait3A_167 : memref<1x128xi32, #tpu.memory_space<vmem>> -> memref<128xi32, #tpu.memory_space<vmem>>
    %dma_wait3A_169 = arith.constant 0 : i32
    %dma_wait3A_170 = arith.constant 0 : i32
    %dma_wait3A_171 = tpu.memref_slice %arg12[%dma_wait3A_169, %dma_wait3A_170] : memref<10240x64xf32, #tpu.memory_space<vmem_shared>> -> memref<10240x64xf32, #tpu.memory_space<vmem_shared>>
    tpu.wait_indirect_dma semaphore(%arg18 : memref<!tpu.dma_semaphore, #tpu.memory_space<semaphore_mem>>) src(%dma_wait3A_165 : memref<128x64xf32, #tpu.memory_space<vmem>>) dst(%dma_wait3A_171 : memref<10240x64xf32, #tpu.memory_space<vmem_shared>>)
    %dma_wait3A_172 = arith.constant 2 : i32
    %dma_wait3A_173 = arith.constant 0 : i32
    %dma_wait3A_174 = arith.constant 0 : i32
    %dma_wait3A_175 = arith.constant 0 : i32
    %dma_wait3A_176 = tpu.memref_slice %arg8[%dma_wait3A_172, %dma_wait3A_174, %dma_wait3A_175] : memref<3x128x64xf32, #tpu.memory_space<vmem>> -> memref<1x128x64xf32, #tpu.memory_space<vmem>>
    %dma_wait3A_177 = tpu.memref_squeeze %dma_wait3A_176 : memref<1x128x64xf32, #tpu.memory_space<vmem>> -> memref<128x64xf32, #tpu.memory_space<vmem>>
    %dma_wait3A_178 = arith.constant 0 : i32
    %dma_wait3A_179 = tpu.memref_slice %arg7[%dma_wait3A_173, %dma_wait3A_178] : memref<159x128xi32, #tpu.memory_space<vmem>> -> memref<1x128xi32, #tpu.memory_space<vmem>>
    %dma_wait3A_180 = tpu.memref_squeeze %dma_wait3A_179 : memref<1x128xi32, #tpu.memory_space<vmem>> -> memref<128xi32, #tpu.memory_space<vmem>>
    %dma_wait3A_181 = arith.constant 0 : i32
    %dma_wait3A_182 = arith.constant 0 : i32
    %dma_wait3A_183 = tpu.memref_slice %arg12[%dma_wait3A_181, %dma_wait3A_182] : memref<10240x64xf32, #tpu.memory_space<vmem_shared>> -> memref<10240x64xf32, #tpu.memory_space<vmem_shared>>
    tpu.wait_indirect_dma semaphore(%arg19 : memref<!tpu.dma_semaphore, #tpu.memory_space<semaphore_mem>>) src(%dma_wait3A_177 : memref<128x64xf32, #tpu.memory_space<vmem>>) dst(%dma_wait3A_183 : memref<10240x64xf32, #tpu.memory_space<vmem_shared>>)
    "tpu.region"() ({
      %run_scoped3A = tpu.sem_alloc : memref<!tpu.dma_semaphore, #tpu.memory_space<semaphore_mem>>
      %dma_start3A_191 = arith.constant 0 : i32
      %dma_start3A_192 = arith.constant 0 : i32
      %dma_start3A_193 = tpu.memref_slice %arg13[%dma_start3A_191, %dma_start3A_192] : memref<80x128xf32, #tpu.memory_space<vmem_shared>> -> memref<80x128xf32, #tpu.memory_space<vmem_shared>>
      tpu.enqueue_indirect_dma source(%arg10 : memref<80x128xf32, #tpu.memory_space<vmem>>) target(%dma_start3A_193 : memref<80x128xf32, #tpu.memory_space<vmem_shared>>) offsets(%arg11 : memref<80xi32, #tpu.memory_space<vmem>>) semaphore(%run_scoped3A : memref<!tpu.dma_semaphore, #tpu.memory_space<semaphore_mem>>) {add = true}
      %dma_wait3A_194 = arith.constant 0 : i32
      %dma_wait3A_195 = arith.constant 0 : i32
      %dma_wait3A_196 = tpu.memref_slice %arg13[%dma_wait3A_194, %dma_wait3A_195] : memref<80x128xf32, #tpu.memory_space<vmem_shared>> -> memref<80x128xf32, #tpu.memory_space<vmem_shared>>
      tpu.wait_indirect_dma semaphore(%run_scoped3A : memref<!tpu.dma_semaphore, #tpu.memory_space<semaphore_mem>>) src(%arg10 : memref<80x128xf32, #tpu.memory_space<vmem>>) dst(%dma_wait3A_196 : memref<80x128xf32, #tpu.memory_space<vmem_shared>>)
      tpu.yield
    }) : () -> ()
    %barrier3A_184 = arith.constant 0 : index
    tpu.barrier barrier_id(%barrier3A_184)
    %mul3A_185 = arith.constant 64 : i32
    %mul3A_186 = arith.muli %arg0, %mul3A_185 : i32
    "tpu.region"() ({
      %run_scoped3A = tpu.sem_alloc : memref<!tpu.dma_semaphore, #tpu.memory_space<semaphore_mem>>
      %dma_start3A_191 = tpu.memref_slice %arg4[%mul3A_47, %mul3A_186] : memref<10240x128xf32, #tpu.memory_space<hbm>> -> memref<640x64xf32, #tpu.memory_space<hbm>>
      %dma_start3A_192 = arith.constant 0 : i32
      %dma_start3A_193 = tpu.memref_slice %arg12[%mul3A_47, %dma_start3A_192] : memref<10240x64xf32, #tpu.memory_space<vmem_shared>> -> memref<640x64xf32, #tpu.memory_space<vmem_shared>>
      tpu.enqueue_dma source(%dma_start3A_193 : memref<640x64xf32, #tpu.memory_space<vmem_shared>>) target(%dma_start3A_191 : memref<640x64xf32, #tpu.memory_space<hbm>>) target_semaphore(%run_scoped3A : memref<!tpu.dma_semaphore, #tpu.memory_space<semaphore_mem>>)
      %dma_wait3A_194 = tpu.memref_slice %arg4[%mul3A_47, %mul3A_186] : memref<10240x128xf32, #tpu.memory_space<hbm>> -> memref<640x64xf32, #tpu.memory_space<hbm>>
      %dma_wait3A_195 = arith.constant 0 : i32
      %dma_wait3A_196 = tpu.memref_slice %arg12[%mul3A_47, %dma_wait3A_195] : memref<10240x64xf32, #tpu.memory_space<vmem_shared>> -> memref<640x64xf32, #tpu.memory_space<vmem_shared>>
      tpu.wait_dma2 semaphore(%run_scoped3A : memref<!tpu.dma_semaphore, #tpu.memory_space<semaphore_mem>>) src(%dma_wait3A_196 : memref<640x64xf32, #tpu.memory_space<vmem_shared>>) dst(%dma_wait3A_194 : memref<640x64xf32, #tpu.memory_space<hbm>>)
      tpu.yield
    }) : () -> ()
    %mul3A_187 = arith.constant 5 : i32
    %mul3A_188 = arith.muli %arg1, %mul3A_187 : i32
    %mul3A_189 = arith.constant 5 : i32
    %mul3A_190 = arith.muli %arg1, %mul3A_189 : i32
    "tpu.region"() ({
      %run_scoped3A = tpu.sem_alloc : memref<!tpu.dma_semaphore, #tpu.memory_space<semaphore_mem>>
      %dma_start3A_191 = arith.constant 0 : i32
      %dma_start3A_192 = tpu.memref_slice %arg5[%arg0, %mul3A_190, %dma_start3A_191] : memref<2x80x128xf32, #tpu.memory_space<hbm>> -> memref<1x5x128xf32, #tpu.memory_space<hbm>>
      %dma_start3A_193 = tpu.memref_squeeze %dma_start3A_192 : memref<1x5x128xf32, #tpu.memory_space<hbm>> -> memref<5x128xf32, #tpu.memory_space<hbm>>
      %dma_start3A_194 = arith.constant 0 : i32
      %dma_start3A_195 = tpu.memref_slice %arg13[%mul3A_188, %dma_start3A_194] : memref<80x128xf32, #tpu.memory_space<vmem_shared>> -> memref<5x128xf32, #tpu.memory_space<vmem_shared>>
      tpu.enqueue_dma source(%dma_start3A_195 : memref<5x128xf32, #tpu.memory_space<vmem_shared>>) target(%dma_start3A_193 : memref<5x128xf32, #tpu.memory_space<hbm>>) target_semaphore(%run_scoped3A : memref<!tpu.dma_semaphore, #tpu.memory_space<semaphore_mem>>)
      %dma_wait3A_196 = arith.constant 0 : i32
      %dma_wait3A_197 = tpu.memref_slice %arg5[%arg0, %mul3A_190, %dma_wait3A_196] : memref<2x80x128xf32, #tpu.memory_space<hbm>> -> memref<1x5x128xf32, #tpu.memory_space<hbm>>
      %dma_wait3A_198 = tpu.memref_squeeze %dma_wait3A_197 : memref<1x5x128xf32, #tpu.memory_space<hbm>> -> memref<5x128xf32, #tpu.memory_space<hbm>>
      %dma_wait3A_199 = arith.constant 0 : i32
      %dma_wait3A_200 = tpu.memref_slice %arg13[%mul3A_188, %dma_wait3A_199] : memref<80x128xf32, #tpu.memory_space<vmem_shared>> -> memref<5x128xf32, #tpu.memory_space<vmem_shared>>
      tpu.wait_dma2 semaphore(%run_scoped3A : memref<!tpu.dma_semaphore, #tpu.memory_space<semaphore_mem>>) src(%dma_wait3A_200 : memref<5x128xf32, #tpu.memory_space<vmem_shared>>) dst(%dma_wait3A_198 : memref<5x128xf32, #tpu.memory_space<hbm>>)
      tpu.yield
    }) : () -> ()
    return
  }
}

module attributes {stable_mosaic.version = 14 : i64} {
  func.func @_ln_split_body(%arg0: i32, %arg1: memref<1000x128xf32, #tpu.memory_space<vmem>>, %arg2: memref<1x128xf32, #tpu.memory_space<vmem>>, %arg3: memref<1x128xf32, #tpu.memory_space<vmem>>, %arg4: memref<2x1000x64xf32, #tpu.memory_space<vmem>>) attributes {dimension_semantics = [#tpu.dimension_semantics<arbitrary>], iteration_bounds = array<i64: 10>, scalar_prefetch = 0 : i64, scratch_operands = 0 : i64, tpu.core_type = #tpu.core_type<tc>, window_params = [{transform_indices = @transform_0, window_bounds = array<i64: 1000, 128>}, {pipeline_mode = #tpu.pipeline_mode<synchronous>, transform_indices = @transform_1, window_bounds = array<i64: 1, 128>}, {pipeline_mode = #tpu.pipeline_mode<synchronous>, transform_indices = @transform_2, window_bounds = array<i64: 1, 128>}, {transform_indices = @transform_3, window_bounds = array<i64: 2, 1000, 64>}]} {
    %get3A = arith.constant 0 : index
    %get3A_0 = arith.constant 0 : index
    %get3A_1 = vector.load %arg1[%get3A, %get3A_0] : memref<1000x128xf32, #tpu.memory_space<vmem>>, vector<1000x128xf32>
    %reduce_sum3A = arith.constant dense<0.000000e+00> : vector<1000xf32>
    %reduce_sum3A_2 = vector.multi_reduction <add>, %get3A_1, %reduce_sum3A [1] : vector<1000x128xf32> to vector<1000xf32>
    %broadcast_in_dim3A = vector.shape_cast %reduce_sum3A_2 : vector<1000xf32> to vector<1000x1xf32>
    %div3A = arith.constant 1.280000e+02 : f32
    %div3A_3 = vector.broadcast %div3A : f32 to vector<1000x1xf32>
    %div3A_4 = arith.divf %broadcast_in_dim3A, %div3A_3 : vector<1000x1xf32>
    %sub3A = vector.broadcast %div3A_4 : vector<1000x1xf32> to vector<1000x128xf32>
    %sub3A_5 = arith.subf %get3A_1, %sub3A : vector<1000x128xf32>
    %integer_pow3A = arith.mulf %sub3A_5, %sub3A_5 : vector<1000x128xf32>
    %reduce_sum3A_6 = arith.constant dense<0.000000e+00> : vector<1000xf32>
    %reduce_sum3A_7 = vector.multi_reduction <add>, %integer_pow3A, %reduce_sum3A_6 [1] : vector<1000x128xf32> to vector<1000xf32>
    %broadcast_in_dim3A_8 = vector.shape_cast %reduce_sum3A_7 : vector<1000xf32> to vector<1000x1xf32>
    %div3A_9 = arith.constant 1.280000e+02 : f32
    %div3A_10 = vector.broadcast %div3A_9 : f32 to vector<1000x1xf32>
    %div3A_11 = arith.divf %broadcast_in_dim3A_8, %div3A_10 : vector<1000x1xf32>
    %sub3A_12 = vector.broadcast %div3A_4 : vector<1000x1xf32> to vector<1000x128xf32>
    %sub3A_13 = arith.subf %get3A_1, %sub3A_12 : vector<1000x128xf32>
    %add3A = arith.constant 9.99999974E-6 : f32
    %add3A_14 = vector.broadcast %add3A : f32 to vector<1000x1xf32>
    %add3A_15 = arith.addf %div3A_11, %add3A_14 : vector<1000x1xf32>
    %rsqrt3A = math.rsqrt %add3A_15 : vector<1000x1xf32>
    %mul3A = vector.broadcast %rsqrt3A : vector<1000x1xf32> to vector<1000x128xf32>
    %mul3A_16 = arith.mulf %sub3A_13, %mul3A : vector<1000x128xf32>
    %get3A_17 = arith.constant 0 : index
    %get3A_18 = arith.constant 0 : index
    %get3A_19 = vector.load %arg2[%get3A_17, %get3A_18] : memref<1x128xf32, #tpu.memory_space<vmem>>, vector<1x128xf32>
    %mul3A_20 = vector.broadcast %get3A_19 : vector<1x128xf32> to vector<1000x128xf32>
    %mul3A_21 = arith.mulf %mul3A_16, %mul3A_20 : vector<1000x128xf32>
    %get3A_22 = arith.constant 0 : index
    %get3A_23 = arith.constant 0 : index
    %get3A_24 = vector.load %arg3[%get3A_22, %get3A_23] : memref<1x128xf32, #tpu.memory_space<vmem>>, vector<1x128xf32>
    %add3A_25 = vector.broadcast %get3A_24 : vector<1x128xf32> to vector<1000x128xf32>
    %add3A_26 = arith.addf %mul3A_21, %add3A_25 : vector<1000x128xf32>
    %slice3A = vector.extract_strided_slice %add3A_26 {offsets = [0, 0], sizes = [1000, 64], strides = [1, 1]} : vector<1000x128xf32> to vector<1000x64xf32>
    %swap3A = arith.constant 0 : index
    %swap3A_27 = arith.constant 0 : index
    %swap3A_28 = arith.constant 0 : index
    %swap3A_29 = vector.load %arg4[%swap3A, %swap3A_27, %swap3A_28] : memref<2x1000x64xf32, #tpu.memory_space<vmem>>, vector<1x1000x64xf32>
    %swap3A_30 = vector.shape_cast %swap3A_29 : vector<1x1000x64xf32> to vector<1000x64xf32>
    %swap3A_31 = vector.shape_cast %slice3A : vector<1000x64xf32> to vector<1x1000x64xf32>
    tpu.vector_store %arg4[%swap3A, %swap3A_27, %swap3A_28], %swap3A_31 {strides = array<i32>} : memref<2x1000x64xf32, #tpu.memory_space<vmem>>, vector<1x1000x64xf32>,
    %slice3A_32 = vector.extract_strided_slice %add3A_26 {offsets = [0, 64], sizes = [1000, 64], strides = [1, 1]} : vector<1000x128xf32> to vector<1000x64xf32>
    %swap3A_33 = arith.constant 1 : index
    %swap3A_34 = arith.constant 0 : index
    %swap3A_35 = arith.constant 0 : index
    %swap3A_36 = vector.load %arg4[%swap3A_33, %swap3A_34, %swap3A_35] : memref<2x1000x64xf32, #tpu.memory_space<vmem>>, vector<1x1000x64xf32>
    %swap3A_37 = vector.shape_cast %swap3A_36 : vector<1x1000x64xf32> to vector<1000x64xf32>
    %swap3A_38 = vector.shape_cast %slice3A_32 : vector<1000x64xf32> to vector<1x1000x64xf32>
    tpu.vector_store %arg4[%swap3A_33, %swap3A_34, %swap3A_35], %swap3A_38 {strides = array<i32>} : memref<2x1000x64xf32, #tpu.memory_space<vmem>>, vector<1x1000x64xf32>,
    return
  }
  func.func @transform_0(%arg0: i32) -> (i32, i32) {
    %c0_i32 = arith.constant 0 : i32
    %c0_i32_0 = arith.constant 0 : i32
    return %arg0, %c0_i32 : i32, i32
  }
  func.func @transform_1(%arg0: i32) -> (i32, i32) {
    %c0_i32 = arith.constant 0 : i32
    %c0_i32_0 = arith.constant 0 : i32
    %c0_i32_1 = arith.constant 0 : i32
    return %c0_i32, %c0_i32_0 : i32, i32
  }
  func.func @transform_2(%arg0: i32) -> (i32, i32) {
    %c0_i32 = arith.constant 0 : i32
    %c0_i32_0 = arith.constant 0 : i32
    %c0_i32_1 = arith.constant 0 : i32
    return %c0_i32, %c0_i32_0 : i32, i32
  }
  func.func @transform_3(%arg0: i32) -> (i32, i32, i32) {
    %c0_i32 = arith.constant 0 : i32
    %c0_i32_0 = arith.constant 0 : i32
    %c0_i32_1 = arith.constant 0 : i32
    return %c0_i32, %arg0, %c0_i32_0 : i32, i32, i32
  }
}

module attributes {stable_mosaic.version = 14 : i64} {
  func.func @_self_body(%arg0: i32, %arg1: memref<2x1000x64xf32, #tpu.memory_space<vmem>>, %arg2: memref<4x128x128xf32, #tpu.memory_space<vmem>>, %arg3: memref<4x128xf32, #tpu.memory_space<vmem>>, %arg4: memref<1000x512xf32, #tpu.memory_space<vmem>>) attributes {dimension_semantics = [#tpu.dimension_semantics<arbitrary>], iteration_bounds = array<i64: 10>, scalar_prefetch = 0 : i64, scratch_operands = 0 : i64, tpu.core_type = #tpu.core_type<tc>, window_params = [{transform_indices = @transform_0, window_bounds = array<i64: 2, 1000, 64>}, {pipeline_mode = #tpu.pipeline_mode<synchronous>, transform_indices = @transform_1, window_bounds = array<i64: 4, 128, 128>}, {pipeline_mode = #tpu.pipeline_mode<synchronous>, transform_indices = @transform_2, window_bounds = array<i64: 4, 128>}, {transform_indices = @transform_3, window_bounds = array<i64: 1000, 512>}]} {
    %get3A = arith.constant 0 : index
    %get3A_0 = arith.constant 0 : index
    %get3A_1 = arith.constant 0 : index
    %get3A_2 = vector.load %arg1[%get3A, %get3A_0, %get3A_1] : memref<2x1000x64xf32, #tpu.memory_space<vmem>>, vector<1x1000x64xf32>
    %get3A_3 = vector.shape_cast %get3A_2 : vector<1x1000x64xf32> to vector<1000x64xf32>
    %get3A_4 = arith.constant 1 : index
    %get3A_5 = arith.constant 0 : index
    %get3A_6 = arith.constant 0 : index
    %get3A_7 = vector.load %arg1[%get3A_4, %get3A_5, %get3A_6] : memref<2x1000x64xf32, #tpu.memory_space<vmem>>, vector<1x1000x64xf32>
    %get3A_8 = vector.shape_cast %get3A_7 : vector<1x1000x64xf32> to vector<1000x64xf32>
    %concatenate3A = tpu.concatenate %get3A_3, %get3A_8 in 1 : vector<1000x64xf32>, vector<1000x64xf32> -> vector<1000x128xf32>
    %get3A_9 = arith.constant 0 : index
    %get3A_10 = arith.constant 0 : index
    %get3A_11 = arith.constant 0 : index
    %get3A_12 = vector.load %arg2[%get3A_9, %get3A_10, %get3A_11] : memref<4x128x128xf32, #tpu.memory_space<vmem>>, vector<1x128x128xf32>
    %get3A_13 = vector.shape_cast %get3A_12 : vector<1x128x128xf32> to vector<128x128xf32>
    %dot_general3A = arith.constant dense<0.000000e+00> : vector<1000x128xf32>
    %dot_general3A_14 = tpu.matmul %concatenate3A, %get3A_13, %dot_general3A {dimension_numbers = #tpu.dot_dimension_numbers<[1], [0], [0], [1], [0, 0, 1, 1], [], []>, transpose_lhs_hint = false} : vector<1000x128xf32>, vector<128x128xf32>, vector<1000x128xf32> -> vector<1000x128xf32>
    %get3A_15 = arith.constant 0 : index
    %get3A_16 = arith.constant 0 : index
    %get3A_17 = vector.load %arg3[%get3A_15, %get3A_16] : memref<4x128xf32, #tpu.memory_space<vmem>>, vector<1x128xf32>
    %get3A_18 = vector.shape_cast %get3A_17 : vector<1x128xf32> to vector<128xf32>
    %broadcast_in_dim3A = vector.shape_cast %get3A_18 : vector<128xf32> to vector<1x128xf32>
    %add3A = vector.broadcast %broadcast_in_dim3A : vector<1x128xf32> to vector<1000x128xf32>
    %add3A_19 = arith.addf %dot_general3A_14, %add3A : vector<1000x128xf32>
    %swap3A = arith.constant 0 : index
    %swap3A_20 = arith.constant 0 : index
    %swap3A_21 = vector.load %arg4[%swap3A, %swap3A_20] : memref<1000x512xf32, #tpu.memory_space<vmem>>, vector<1000x128xf32>
    tpu.vector_store %arg4[%swap3A, %swap3A_20], %add3A_19 {strides = array<i32>} : memref<1000x512xf32, #tpu.memory_space<vmem>>, vector<1000x128xf32>,
    %get3A_22 = arith.constant 1 : index
    %get3A_23 = arith.constant 0 : index
    %get3A_24 = arith.constant 0 : index
    %get3A_25 = vector.load %arg2[%get3A_22, %get3A_23, %get3A_24] : memref<4x128x128xf32, #tpu.memory_space<vmem>>, vector<1x128x128xf32>
    %get3A_26 = vector.shape_cast %get3A_25 : vector<1x128x128xf32> to vector<128x128xf32>
    %dot_general3A_27 = arith.constant dense<0.000000e+00> : vector<1000x128xf32>
    %dot_general3A_28 = tpu.matmul %concatenate3A, %get3A_26, %dot_general3A_27 {dimension_numbers = #tpu.dot_dimension_numbers<[1], [0], [0], [1], [0, 0, 1, 1], [], []>, transpose_lhs_hint = false} : vector<1000x128xf32>, vector<128x128xf32>, vector<1000x128xf32> -> vector<1000x128xf32>
    %get3A_29 = arith.constant 1 : index
    %get3A_30 = arith.constant 0 : index
    %get3A_31 = vector.load %arg3[%get3A_29, %get3A_30] : memref<4x128xf32, #tpu.memory_space<vmem>>, vector<1x128xf32>
    %get3A_32 = vector.shape_cast %get3A_31 : vector<1x128xf32> to vector<128xf32>
    %broadcast_in_dim3A_33 = vector.shape_cast %get3A_32 : vector<128xf32> to vector<1x128xf32>
    %add3A_34 = vector.broadcast %broadcast_in_dim3A_33 : vector<1x128xf32> to vector<1000x128xf32>
    %add3A_35 = arith.addf %dot_general3A_28, %add3A_34 : vector<1000x128xf32>
    %swap3A_36 = arith.constant 0 : index
    %swap3A_37 = arith.constant 128 : index
    %swap3A_38 = vector.load %arg4[%swap3A_36, %swap3A_37] : memref<1000x512xf32, #tpu.memory_space<vmem>>, vector<1000x128xf32>
    tpu.vector_store %arg4[%swap3A_36, %swap3A_37], %add3A_35 {strides = array<i32>} : memref<1000x512xf32, #tpu.memory_space<vmem>>, vector<1000x128xf32>,
    %get3A_39 = arith.constant 2 : index
    %get3A_40 = arith.constant 0 : index
    %get3A_41 = arith.constant 0 : index
    %get3A_42 = vector.load %arg2[%get3A_39, %get3A_40, %get3A_41] : memref<4x128x128xf32, #tpu.memory_space<vmem>>, vector<1x128x128xf32>
    %get3A_43 = vector.shape_cast %get3A_42 : vector<1x128x128xf32> to vector<128x128xf32>
    %dot_general3A_44 = arith.constant dense<0.000000e+00> : vector<1000x128xf32>
    %dot_general3A_45 = tpu.matmul %concatenate3A, %get3A_43, %dot_general3A_44 {dimension_numbers = #tpu.dot_dimension_numbers<[1], [0], [0], [1], [0, 0, 1, 1], [], []>, transpose_lhs_hint = false} : vector<1000x128xf32>, vector<128x128xf32>, vector<1000x128xf32> -> vector<1000x128xf32>
    %get3A_46 = arith.constant 2 : index
    %get3A_47 = arith.constant 0 : index
    %get3A_48 = vector.load %arg3[%get3A_46, %get3A_47] : memref<4x128xf32, #tpu.memory_space<vmem>>, vector<1x128xf32>
    %get3A_49 = vector.shape_cast %get3A_48 : vector<1x128xf32> to vector<128xf32>
    %broadcast_in_dim3A_50 = vector.shape_cast %get3A_49 : vector<128xf32> to vector<1x128xf32>
    %add3A_51 = vector.broadcast %broadcast_in_dim3A_50 : vector<1x128xf32> to vector<1000x128xf32>
    %add3A_52 = arith.addf %dot_general3A_45, %add3A_51 : vector<1000x128xf32>
    %swap3A_53 = arith.constant 0 : index
    %swap3A_54 = arith.constant 256 : index
    %swap3A_55 = vector.load %arg4[%swap3A_53, %swap3A_54] : memref<1000x512xf32, #tpu.memory_space<vmem>>, vector<1000x128xf32>
    tpu.vector_store %arg4[%swap3A_53, %swap3A_54], %add3A_52 {strides = array<i32>} : memref<1000x512xf32, #tpu.memory_space<vmem>>, vector<1000x128xf32>,
    %get3A_56 = arith.constant 3 : index
    %get3A_57 = arith.constant 0 : index
    %get3A_58 = arith.constant 0 : index
    %get3A_59 = vector.load %arg2[%get3A_56, %get3A_57, %get3A_58] : memref<4x128x128xf32, #tpu.memory_space<vmem>>, vector<1x128x128xf32>
    %get3A_60 = vector.shape_cast %get3A_59 : vector<1x128x128xf32> to vector<128x128xf32>
    %dot_general3A_61 = arith.constant dense<0.000000e+00> : vector<1000x128xf32>
    %dot_general3A_62 = tpu.matmul %concatenate3A, %get3A_60, %dot_general3A_61 {dimension_numbers = #tpu.dot_dimension_numbers<[1], [0], [0], [1], [0, 0, 1, 1], [], []>, transpose_lhs_hint = false} : vector<1000x128xf32>, vector<128x128xf32>, vector<1000x128xf32> -> vector<1000x128xf32>
    %get3A_63 = arith.constant 3 : index
    %get3A_64 = arith.constant 0 : index
    %get3A_65 = vector.load %arg3[%get3A_63, %get3A_64] : memref<4x128xf32, #tpu.memory_space<vmem>>, vector<1x128xf32>
    %get3A_66 = vector.shape_cast %get3A_65 : vector<1x128xf32> to vector<128xf32>
    %broadcast_in_dim3A_67 = vector.shape_cast %get3A_66 : vector<128xf32> to vector<1x128xf32>
    %add3A_68 = vector.broadcast %broadcast_in_dim3A_67 : vector<1x128xf32> to vector<1000x128xf32>
    %add3A_69 = arith.addf %dot_general3A_62, %add3A_68 : vector<1000x128xf32>
    %swap3A_70 = arith.constant 0 : index
    %swap3A_71 = arith.constant 384 : index
    %swap3A_72 = vector.load %arg4[%swap3A_70, %swap3A_71] : memref<1000x512xf32, #tpu.memory_space<vmem>>, vector<1000x128xf32>
    tpu.vector_store %arg4[%swap3A_70, %swap3A_71], %add3A_69 {strides = array<i32>} : memref<1000x512xf32, #tpu.memory_space<vmem>>, vector<1000x128xf32>,
    return
  }
  func.func @transform_0(%arg0: i32) -> (i32, i32, i32) {
    %c0_i32 = arith.constant 0 : i32
    %c0_i32_0 = arith.constant 0 : i32
    %c0_i32_1 = arith.constant 0 : i32
    return %c0_i32, %arg0, %c0_i32_0 : i32, i32, i32
  }
  func.func @transform_1(%arg0: i32) -> (i32, i32, i32) {
    %c0_i32 = arith.constant 0 : i32
    %c0_i32_0 = arith.constant 0 : i32
    %c0_i32_1 = arith.constant 0 : i32
    %c0_i32_2 = arith.constant 0 : i32
    return %c0_i32, %c0_i32_0, %c0_i32_1 : i32, i32, i32
  }
  func.func @transform_2(%arg0: i32) -> (i32, i32) {
    %c0_i32 = arith.constant 0 : i32
    %c0_i32_0 = arith.constant 0 : i32
    %c0_i32_1 = arith.constant 0 : i32
    return %c0_i32, %c0_i32_0 : i32, i32
  }
  func.func @transform_3(%arg0: i32) -> (i32, i32) {
    %c0_i32 = arith.constant 0 : i32
    %c0_i32_0 = arith.constant 0 : i32
    return %arg0, %c0_i32 : i32, i32
  }
}

module attributes {stable_mosaic.version = 14 : i64} {
  func.func @_tail_body(%arg0: i32, %arg1: memref<1280x128xf32, #tpu.memory_space<vmem>>, %arg2: memref<1280x512xf32, #tpu.memory_space<vmem>>, %arg3: memref<1280x128xf32, #tpu.memory_space<vmem>>, %arg4: memref<1280x1xf32, #tpu.memory_space<vmem>>, %arg5: memref<4x128x128xf32, #tpu.memory_space<vmem>>, %arg6: memref<512x128xf32, #tpu.memory_space<vmem>>, %arg7: memref<1x128xf32, #tpu.memory_space<vmem>>, %arg8: memref<128x128xf32, #tpu.memory_space<vmem>>, %arg9: memref<1x128xf32, #tpu.memory_space<vmem>>, %arg10: memref<128x128xf32, #tpu.memory_space<vmem>>, %arg11: memref<1x128xf32, #tpu.memory_space<vmem>>, %arg12: memref<1x128xf32, #tpu.memory_space<vmem>>, %arg13: memref<1x128xf32, #tpu.memory_space<vmem>>, %arg14: memref<1280x128xf32, #tpu.memory_space<vmem>>) attributes {dimension_semantics = [#tpu.dimension_semantics<arbitrary>], iteration_bounds = array<i64: 8>, scalar_prefetch = 0 : i64, scratch_operands = 0 : i64, tpu.core_type = #tpu.core_type<tc>, window_params = [{transform_indices = @transform_0, window_bounds = array<i64: 1280, 128>}, {transform_indices = @transform_1, window_bounds = array<i64: 1280, 512>}, {transform_indices = @transform_2, window_bounds = array<i64: 1280, 128>}, {transform_indices = @transform_3, window_bounds = array<i64: 1280, 1>}, {pipeline_mode = #tpu.pipeline_mode<synchronous>, transform_indices = @transform_4, window_bounds = array<i64: 4, 128, 128>}, {pipeline_mode = #tpu.pipeline_mode<synchronous>, transform_indices = @transform_5, window_bounds = array<i64: 512, 128>}, {pipeline_mode = #tpu.pipeline_mode<synchronous>, transform_indices = @transform_6, window_bounds = array<i64: 1, 128>}, {pipeline_mode = #tpu.pipeline_mode<synchronous>, transform_indices = @transform_7, window_bounds = array<i64: 128, 128>}, {pipeline_mode = #tpu.pipeline_mode<synchronous>, transform_indices = @transform_8, window_bounds = array<i64: 1, 128>}, {pipeline_mode = #tpu.pipeline_mode<synchronous>, transform_indices = @transform_9, window_bounds = array<i64: 128, 128>}, {pipeline_mode = #tpu.pipeline_mode<synchronous>, transform_indices = @transform_10, window_bounds = array<i64: 1, 128>}, {pipeline_mode = #tpu.pipeline_mode<synchronous>, transform_indices = @transform_11, window_bounds = array<i64: 1, 128>}, {pipeline_mode = #tpu.pipeline_mode<synchronous>, transform_indices = @transform_12, window_bounds = array<i64: 1, 128>}, {transform_indices = @transform_13, window_bounds = array<i64: 1280, 128>}]} {
    %get3A = arith.constant 0 : index
    %get3A_0 = arith.constant 0 : index
    %get3A_1 = vector.load %arg1[%get3A, %get3A_0] : memref<1280x128xf32, #tpu.memory_space<vmem>>, vector<1280x128xf32>
    %get3A_2 = arith.constant 0 : index
    %get3A_3 = arith.constant 0 : index
    %get3A_4 = vector.load %arg4[%get3A_2, %get3A_3] : memref<1280x1xf32, #tpu.memory_space<vmem>>, vector<1280x1xf32>
    %get3A_5 = arith.constant 0 : index
    %get3A_6 = arith.constant 0 : index
    %get3A_7 = vector.load %arg3[%get3A_5, %get3A_6] : memref<1280x128xf32, #tpu.memory_space<vmem>>, vector<1280x128xf32>
    %max3A = arith.constant 1.000000e+00 : f32
    %max3A_8 = vector.broadcast %max3A : f32 to vector<1280x1xf32>
    %max3A_9 = arith.maximumf %get3A_4, %max3A_8 : vector<1280x1xf32>
    %div3A = vector.broadcast %max3A_9 : vector<1280x1xf32> to vector<1280x128xf32>
    %div3A_10 = arith.divf %get3A_7, %div3A : vector<1280x128xf32>
    %get3A_11 = arith.constant 0 : index
    %get3A_12 = arith.constant 0 : index
    %get3A_13 = vector.load %arg7[%get3A_11, %get3A_12] : memref<1x128xf32, #tpu.memory_space<vmem>>, vector<1x128xf32>
    %get3A_14 = arith.constant 0 : index
    %get3A_15 = arith.constant 0 : index
    %get3A_16 = vector.load %arg2[%get3A_14, %get3A_15] : memref<1280x512xf32, #tpu.memory_space<vmem>>, vector<1280x128xf32>
    %get3A_17 = arith.constant 0 : index
    %get3A_18 = arith.constant 0 : index
    %get3A_19 = arith.constant 0 : index
    %get3A_20 = vector.load %arg5[%get3A_17, %get3A_18, %get3A_19] : memref<4x128x128xf32, #tpu.memory_space<vmem>>, vector<1x128x128xf32>
    %get3A_21 = vector.shape_cast %get3A_20 : vector<1x128x128xf32> to vector<128x128xf32>
    %dot_general3A = arith.constant dense<0.000000e+00> : vector<1280x128xf32>
    %dot_general3A_22 = tpu.matmul %div3A_10, %get3A_21, %dot_general3A {dimension_numbers = #tpu.dot_dimension_numbers<[1], [0], [0], [1], [0, 0, 1, 1], [], []>, transpose_lhs_hint = false} : vector<1280x128xf32>, vector<128x128xf32>, vector<1280x128xf32> -> vector<1280x128xf32>
    %add3A = arith.addf %get3A_16, %dot_general3A_22 : vector<1280x128xf32>
    %max3A_23 = arith.constant 0.000000e+00 : f32
    %max3A_24 = vector.broadcast %max3A_23 : f32 to vector<1280x128xf32>
    %max3A_25 = arith.maximumf %add3A, %max3A_24 : vector<1280x128xf32>
    %get3A_26 = arith.constant 0 : index
    %get3A_27 = arith.constant 0 : index
    %get3A_28 = vector.load %arg6[%get3A_26, %get3A_27] : memref<512x128xf32, #tpu.memory_space<vmem>>, vector<128x128xf32>
    %dot_general3A_29 = arith.constant dense<0.000000e+00> : vector<1280x128xf32>
    %dot_general3A_30 = tpu.matmul %max3A_25, %get3A_28, %dot_general3A_29 {dimension_numbers = #tpu.dot_dimension_numbers<[1], [0], [0], [1], [0, 0, 1, 1], [], []>, transpose_lhs_hint = false} : vector<1280x128xf32>, vector<128x128xf32>, vector<1280x128xf32> -> vector<1280x128xf32>
    %add3A_31 = vector.broadcast %get3A_13 : vector<1x128xf32> to vector<1280x128xf32>
    %add3A_32 = arith.addf %add3A_31, %dot_general3A_30 : vector<1280x128xf32>
    %get3A_33 = arith.constant 0 : index
    %get3A_34 = arith.constant 128 : index
    %get3A_35 = vector.load %arg2[%get3A_33, %get3A_34] : memref<1280x512xf32, #tpu.memory_space<vmem>>, vector<1280x128xf32>
    %get3A_36 = arith.constant 1 : index
    %get3A_37 = arith.constant 0 : index
    %get3A_38 = arith.constant 0 : index
    %get3A_39 = vector.load %arg5[%get3A_36, %get3A_37, %get3A_38] : memref<4x128x128xf32, #tpu.memory_space<vmem>>, vector<1x128x128xf32>
    %get3A_40 = vector.shape_cast %get3A_39 : vector<1x128x128xf32> to vector<128x128xf32>
    %dot_general3A_41 = arith.constant dense<0.000000e+00> : vector<1280x128xf32>
    %dot_general3A_42 = tpu.matmul %div3A_10, %get3A_40, %dot_general3A_41 {dimension_numbers = #tpu.dot_dimension_numbers<[1], [0], [0], [1], [0, 0, 1, 1], [], []>, transpose_lhs_hint = false} : vector<1280x128xf32>, vector<128x128xf32>, vector<1280x128xf32> -> vector<1280x128xf32>
    %add3A_43 = arith.addf %get3A_35, %dot_general3A_42 : vector<1280x128xf32>
    %max3A_44 = arith.constant 0.000000e+00 : f32
    %max3A_45 = vector.broadcast %max3A_44 : f32 to vector<1280x128xf32>
    %max3A_46 = arith.maximumf %add3A_43, %max3A_45 : vector<1280x128xf32>
    %get3A_47 = arith.constant 128 : index
    %get3A_48 = arith.constant 0 : index
    %get3A_49 = vector.load %arg6[%get3A_47, %get3A_48] : memref<512x128xf32, #tpu.memory_space<vmem>>, vector<128x128xf32>
    %dot_general3A_50 = arith.constant dense<0.000000e+00> : vector<1280x128xf32>
    %dot_general3A_51 = tpu.matmul %max3A_46, %get3A_49, %dot_general3A_50 {dimension_numbers = #tpu.dot_dimension_numbers<[1], [0], [0], [1], [0, 0, 1, 1], [], []>, transpose_lhs_hint = false} : vector<1280x128xf32>, vector<128x128xf32>, vector<1280x128xf32> -> vector<1280x128xf32>
    %add3A_52 = arith.addf %add3A_32, %dot_general3A_51 : vector<1280x128xf32>
    %get3A_53 = arith.constant 0 : index
    %get3A_54 = arith.constant 256 : index
    %get3A_55 = vector.load %arg2[%get3A_53, %get3A_54] : memref<1280x512xf32, #tpu.memory_space<vmem>>, vector<1280x128xf32>
    %get3A_56 = arith.constant 2 : index
    %get3A_57 = arith.constant 0 : index
    %get3A_58 = arith.constant 0 : index
    %get3A_59 = vector.load %arg5[%get3A_56, %get3A_57, %get3A_58] : memref<4x128x128xf32, #tpu.memory_space<vmem>>, vector<1x128x128xf32>
    %get3A_60 = vector.shape_cast %get3A_59 : vector<1x128x128xf32> to vector<128x128xf32>
    %dot_general3A_61 = arith.constant dense<0.000000e+00> : vector<1280x128xf32>
    %dot_general3A_62 = tpu.matmul %div3A_10, %get3A_60, %dot_general3A_61 {dimension_numbers = #tpu.dot_dimension_numbers<[1], [0], [0], [1], [0, 0, 1, 1], [], []>, transpose_lhs_hint = false} : vector<1280x128xf32>, vector<128x128xf32>, vector<1280x128xf32> -> vector<1280x128xf32>
    %add3A_63 = arith.addf %get3A_55, %dot_general3A_62 : vector<1280x128xf32>
    %max3A_64 = arith.constant 0.000000e+00 : f32
    %max3A_65 = vector.broadcast %max3A_64 : f32 to vector<1280x128xf32>
    %max3A_66 = arith.maximumf %add3A_63, %max3A_65 : vector<1280x128xf32>
    %get3A_67 = arith.constant 256 : index
    %get3A_68 = arith.constant 0 : index
    %get3A_69 = vector.load %arg6[%get3A_67, %get3A_68] : memref<512x128xf32, #tpu.memory_space<vmem>>, vector<128x128xf32>
    %dot_general3A_70 = arith.constant dense<0.000000e+00> : vector<1280x128xf32>
    %dot_general3A_71 = tpu.matmul %max3A_66, %get3A_69, %dot_general3A_70 {dimension_numbers = #tpu.dot_dimension_numbers<[1], [0], [0], [1], [0, 0, 1, 1], [], []>, transpose_lhs_hint = false} : vector<1280x128xf32>, vector<128x128xf32>, vector<1280x128xf32> -> vector<1280x128xf32>
    %add3A_72 = arith.addf %add3A_52, %dot_general3A_71 : vector<1280x128xf32>
    %get3A_73 = arith.constant 0 : index
    %get3A_74 = arith.constant 384 : index
    %get3A_75 = vector.load %arg2[%get3A_73, %get3A_74] : memref<1280x512xf32, #tpu.memory_space<vmem>>, vector<1280x128xf32>
    %get3A_76 = arith.constant 3 : index
    %get3A_77 = arith.constant 0 : index
    %get3A_78 = arith.constant 0 : index
    %get3A_79 = vector.load %arg5[%get3A_76, %get3A_77, %get3A_78] : memref<4x128x128xf32, #tpu.memory_space<vmem>>, vector<1x128x128xf32>
    %get3A_80 = vector.shape_cast %get3A_79 : vector<1x128x128xf32> to vector<128x128xf32>
    %dot_general3A_81 = arith.constant dense<0.000000e+00> : vector<1280x128xf32>
    %dot_general3A_82 = tpu.matmul %div3A_10, %get3A_80, %dot_general3A_81 {dimension_numbers = #tpu.dot_dimension_numbers<[1], [0], [0], [1], [0, 0, 1, 1], [], []>, transpose_lhs_hint = false} : vector<1280x128xf32>, vector<128x128xf32>, vector<1280x128xf32> -> vector<1280x128xf32>
    %add3A_83 = arith.addf %get3A_75, %dot_general3A_82 : vector<1280x128xf32>
    %max3A_84 = arith.constant 0.000000e+00 : f32
    %max3A_85 = vector.broadcast %max3A_84 : f32 to vector<1280x128xf32>
    %max3A_86 = arith.maximumf %add3A_83, %max3A_85 : vector<1280x128xf32>
    %get3A_87 = arith.constant 384 : index
    %get3A_88 = arith.constant 0 : index
    %get3A_89 = vector.load %arg6[%get3A_87, %get3A_88] : memref<512x128xf32, #tpu.memory_space<vmem>>, vector<128x128xf32>
    %dot_general3A_90 = arith.constant dense<0.000000e+00> : vector<1280x128xf32>
    %dot_general3A_91 = tpu.matmul %max3A_86, %get3A_89, %dot_general3A_90 {dimension_numbers = #tpu.dot_dimension_numbers<[1], [0], [0], [1], [0, 0, 1, 1], [], []>, transpose_lhs_hint = false} : vector<1280x128xf32>, vector<128x128xf32>, vector<1280x128xf32> -> vector<1280x128xf32>
    %add3A_92 = arith.addf %add3A_72, %dot_general3A_91 : vector<1280x128xf32>
    %add3A_93 = arith.addf %get3A_1, %add3A_92 : vector<1280x128xf32>
    %reduce_sum3A = arith.constant dense<0.000000e+00> : vector<1280xf32>
    %reduce_sum3A_94 = vector.multi_reduction <add>, %add3A_93, %reduce_sum3A [1] : vector<1280x128xf32> to vector<1280xf32>
    %broadcast_in_dim3A = vector.shape_cast %reduce_sum3A_94 : vector<1280xf32> to vector<1280x1xf32>
    %div3A_95 = arith.constant 1.280000e+02 : f32
    %div3A_96 = vector.broadcast %div3A_95 : f32 to vector<1280x1xf32>
    %div3A_97 = arith.divf %broadcast_in_dim3A, %div3A_96 : vector<1280x1xf32>
    %sub3A = vector.broadcast %div3A_97 : vector<1280x1xf32> to vector<1280x128xf32>
    %sub3A_98 = arith.subf %add3A_93, %sub3A : vector<1280x128xf32>
    %integer_pow3A = arith.mulf %sub3A_98, %sub3A_98 : vector<1280x128xf32>
    %reduce_sum3A_99 = arith.constant dense<0.000000e+00> : vector<1280xf32>
    %reduce_sum3A_100 = vector.multi_reduction <add>, %integer_pow3A, %reduce_sum3A_99 [1] : vector<1280x128xf32> to vector<1280xf32>
    %broadcast_in_dim3A_101 = vector.shape_cast %reduce_sum3A_100 : vector<1280xf32> to vector<1280x1xf32>
    %div3A_102 = arith.constant 1.280000e+02 : f32
    %div3A_103 = vector.broadcast %div3A_102 : f32 to vector<1280x1xf32>
    %div3A_104 = arith.divf %broadcast_in_dim3A_101, %div3A_103 : vector<1280x1xf32>
    %sub3A_105 = vector.broadcast %div3A_97 : vector<1280x1xf32> to vector<1280x128xf32>
    %sub3A_106 = arith.subf %add3A_93, %sub3A_105 : vector<1280x128xf32>
    %add3A_107 = arith.constant 9.99999974E-6 : f32
    %add3A_108 = vector.broadcast %add3A_107 : f32 to vector<1280x1xf32>
    %add3A_109 = arith.addf %div3A_104, %add3A_108 : vector<1280x1xf32>
    %rsqrt3A = math.rsqrt %add3A_109 : vector<1280x1xf32>
    %mul3A = vector.broadcast %rsqrt3A : vector<1280x1xf32> to vector<1280x128xf32>
    %mul3A_110 = arith.mulf %sub3A_106, %mul3A : vector<1280x128xf32>
    %get3A_111 = arith.constant 0 : index
    %get3A_112 = arith.constant 0 : index
    %get3A_113 = vector.load %arg12[%get3A_111, %get3A_112] : memref<1x128xf32, #tpu.memory_space<vmem>>, vector<1x128xf32>
    %mul3A_114 = vector.broadcast %get3A_113 : vector<1x128xf32> to vector<1280x128xf32>
    %mul3A_115 = arith.mulf %mul3A_110, %mul3A_114 : vector<1280x128xf32>
    %get3A_116 = arith.constant 0 : index
    %get3A_117 = arith.constant 0 : index
    %get3A_118 = vector.load %arg13[%get3A_116, %get3A_117] : memref<1x128xf32, #tpu.memory_space<vmem>>, vector<1x128xf32>
    %add3A_119 = vector.broadcast %get3A_118 : vector<1x128xf32> to vector<1280x128xf32>
    %add3A_120 = arith.addf %mul3A_115, %add3A_119 : vector<1280x128xf32>
    %get3A_121 = arith.constant 0 : index
    %get3A_122 = arith.constant 0 : index
    %get3A_123 = vector.load %arg8[%get3A_121, %get3A_122] : memref<128x128xf32, #tpu.memory_space<vmem>>, vector<128x128xf32>
    %dot_general3A_124 = arith.constant dense<0.000000e+00> : vector<1280x128xf32>
    %dot_general3A_125 = tpu.matmul %add3A_120, %get3A_123, %dot_general3A_124 {dimension_numbers = #tpu.dot_dimension_numbers<[1], [0], [0], [1], [0, 0, 1, 1], [], []>, transpose_lhs_hint = false} : vector<1280x128xf32>, vector<128x128xf32>, vector<1280x128xf32> -> vector<1280x128xf32>
    %get3A_126 = arith.constant 0 : index
    %get3A_127 = arith.constant 0 : index
    %get3A_128 = vector.load %arg9[%get3A_126, %get3A_127] : memref<1x128xf32, #tpu.memory_space<vmem>>, vector<1x128xf32>
    %add3A_129 = vector.broadcast %get3A_128 : vector<1x128xf32> to vector<1280x128xf32>
    %add3A_130 = arith.addf %dot_general3A_125, %add3A_129 : vector<1280x128xf32>
    %max3A_131 = arith.constant 0.000000e+00 : f32
    %max3A_132 = vector.broadcast %max3A_131 : f32 to vector<1280x128xf32>
    %max3A_133 = arith.maximumf %add3A_130, %max3A_132 : vector<1280x128xf32>
    %get3A_134 = arith.constant 0 : index
    %get3A_135 = arith.constant 0 : index
    %get3A_136 = vector.load %arg10[%get3A_134, %get3A_135] : memref<128x128xf32, #tpu.memory_space<vmem>>, vector<128x128xf32>
    %dot_general3A_137 = arith.constant dense<0.000000e+00> : vector<1280x128xf32>
    %dot_general3A_138 = tpu.matmul %max3A_133, %get3A_136, %dot_general3A_137 {dimension_numbers = #tpu.dot_dimension_numbers<[1], [0], [0], [1], [0, 0, 1, 1], [], []>, transpose_lhs_hint = false} : vector<1280x128xf32>, vector<128x128xf32>, vector<1280x128xf32> -> vector<1280x128xf32>
    %get3A_139 = arith.constant 0 : index
    %get3A_140 = arith.constant 0 : index
    %get3A_141 = vector.load %arg11[%get3A_139, %get3A_140] : memref<1x128xf32, #tpu.memory_space<vmem>>, vector<1x128xf32>
    %add3A_142 = vector.broadcast %get3A_141 : vector<1x128xf32> to vector<1280x128xf32>
    %add3A_143 = arith.addf %dot_general3A_138, %add3A_142 : vector<1280x128xf32>
    %add3A_144 = arith.addf %add3A_93, %add3A_143 : vector<1280x128xf32>
    %swap3A = arith.constant 0 : index
    %swap3A_145 = arith.constant 0 : index
    %swap3A_146 = vector.load %arg14[%swap3A, %swap3A_145] : memref<1280x128xf32, #tpu.memory_space<vmem>>, vector<1280x128xf32>
    tpu.vector_store %arg14[%swap3A, %swap3A_145], %add3A_144 {strides = array<i32>} : memref<1280x128xf32, #tpu.memory_space<vmem>>, vector<1280x128xf32>,
    return
  }
  func.func @transform_0(%arg0: i32) -> (i32, i32) {
    %c0_i32 = arith.constant 0 : i32
    %c0_i32_0 = arith.constant 0 : i32
    return %arg0, %c0_i32 : i32, i32
  }
  func.func @transform_1(%arg0: i32) -> (i32, i32) {
    %c0_i32 = arith.constant 0 : i32
    %c0_i32_0 = arith.constant 0 : i32
    return %arg0, %c0_i32 : i32, i32
  }
  func.func @transform_2(%arg0: i32) -> (i32, i32) {
    %c0_i32 = arith.constant 0 : i32
    %c0_i32_0 = arith.constant 0 : i32
    return %arg0, %c0_i32 : i32, i32
  }
  func.func @transform_3(%arg0: i32) -> (i32, i32) {
    %c0_i32 = arith.constant 0 : i32
    %c0_i32_0 = arith.constant 0 : i32
    return %arg0, %c0_i32 : i32, i32
  }
  func.func @transform_4(%arg0: i32) -> (i32, i32, i32) {
    %c0_i32 = arith.constant 0 : i32
    %c0_i32_0 = arith.constant 0 : i32
    %c0_i32_1 = arith.constant 0 : i32
    %c0_i32_2 = arith.constant 0 : i32
    return %c0_i32, %c0_i32_0, %c0_i32_1 : i32, i32, i32
  }
  func.func @transform_5(%arg0: i32) -> (i32, i32) {
    %c0_i32 = arith.constant 0 : i32
    %c0_i32_0 = arith.constant 0 : i32
    %c0_i32_1 = arith.constant 0 : i32
    return %c0_i32, %c0_i32_0 : i32, i32
  }
  func.func @transform_6(%arg0: i32) -> (i32, i32) {
    %c0_i32 = arith.constant 0 : i32
    %c0_i32_0 = arith.constant 0 : i32
    %c0_i32_1 = arith.constant 0 : i32
    return %c0_i32, %c0_i32_0 : i32, i32
  }
  func.func @transform_7(%arg0: i32) -> (i32, i32) {
    %c0_i32 = arith.constant 0 : i32
    %c0_i32_0 = arith.constant 0 : i32
    %c0_i32_1 = arith.constant 0 : i32
    return %c0_i32, %c0_i32_0 : i32, i32
  }
  func.func @transform_8(%arg0: i32) -> (i32, i32) {
    %c0_i32 = arith.constant 0 : i32
    %c0_i32_0 = arith.constant 0 : i32
    %c0_i32_1 = arith.constant 0 : i32
    return %c0_i32, %c0_i32_0 : i32, i32
  }
  func.func @transform_9(%arg0: i32) -> (i32, i32) {
    %c0_i32 = arith.constant 0 : i32
    %c0_i32_0 = arith.constant 0 : i32
    %c0_i32_1 = arith.constant 0 : i32
    return %c0_i32, %c0_i32_0 : i32, i32
  }
  func.func @transform_10(%arg0: i32) -> (i32, i32) {
    %c0_i32 = arith.constant 0 : i32
    %c0_i32_0 = arith.constant 0 : i32
    %c0_i32_1 = arith.constant 0 : i32
    return %c0_i32, %c0_i32_0 : i32, i32
  }
  func.func @transform_11(%arg0: i32) -> (i32, i32) {
    %c0_i32 = arith.constant 0 : i32
    %c0_i32_0 = arith.constant 0 : i32
    %c0_i32_1 = arith.constant 0 : i32
    return %c0_i32, %c0_i32_0 : i32, i32
  }
  func.func @transform_12(%arg0: i32) -> (i32, i32) {
    %c0_i32 = arith.constant 0 : i32
    %c0_i32_0 = arith.constant 0 : i32
    %c0_i32_1 = arith.constant 0 : i32
    return %c0_i32, %c0_i32_0 : i32, i32
  }
  func.func @transform_13(%arg0: i32) -> (i32, i32) {
    %c0_i32 = arith.constant 0 : i32
    %c0_i32_0 = arith.constant 0 : i32
    return %arg0, %c0_i32 : i32, i32
  }
}

</mosaic_0001>

<sc_bundles>
// kernel: kernel.6.cloned.1.call-start
scs
__scs_entry_jumppad:
0x0: {  	(pc) =	sbr.rel $0x88, $3  }
0x1: {  	(tag) =	ssettag $0x0;
	lr =	simm.s32 $0x1  }
0x2: {  	[smem:$0x3F92] =	sst lr;
	_ =	strace $0xD0000000  }
0x3: {  	_ = 	snop  }
0x4: {  	_ = 	snop  }
0x5: {  	_ = 	snop  }
0x6: {  	_ = 	snop  }
0x7: {  	_ = 	snop  }
__scs_overlays_trampoline_lowered:
0x8: {  	[smem:$0x3FA1] =	sst s0  }
0x9: {  	[smem:$0x3FA2] =	sst s1  }
0xa: {  	[smem:$0x3FA3] =	sst s2  }
0xb: {  	[smem:$0x3FA4] =	sst s3  }
0xc: {  	[smem:$0x3FA5] =	sst s4  }
0xd: {  	[smem:$0x3FA6] =	sst s5  }
0xe: {  	[smem:$0x3FA7] =	sst s6  }
0xf: {  	[smem:$0x3FA8] =	sst s7  }
0x10: {  	[smem:$0x3FA9] =	sst s8  }
0x11: {  	[smem:$0x3FAA] =	sst s9;
	s0 =	simm.s32 @!p0 $0x0  }
0x12: {  	s1 =	sld [smem:$0x3F90];
	s0 =	simm.s32 @p0 $0x1  }
0x13: {  	[smem:$0x3FAB] =	sst s0;
	s0 =	simm.s32 @!p1 $0x0  }
0x14: {  	s2 =	sld [smem:$0x3F8F];
	s0 =	simm.s32 @p1 $0x1  }
0x15: {  	[smem:$0x3FAC] =	sst s0;
	s0 =	simm.s32 @!p2 $0x0  }
0x16: {  	s3 =	sld [smem:$0x3FDB];
	s0 =	simm.s32 @p2 $0x1  }
0x17: {  	s4 =	simm.s32 $0x1BF5;
	[smem:$0x3FAE] =	sst s0  }
0x18: {  	s0 =	sld [smem:$0x3F91];
	_ =	swait.ge [sflag:s4], $0x0  }
0x19: {  	s7 =	sld [smem:$0x3F92]  }
0x1a: {  	s8 =	sadd.s32 $0xFFFFE003, lr  }
0x1b: {  	s9 =	sadd.s32 $0xFFFFFEF7, lr;
	s5 =	simm.s32 $0xFFFFFFFF;
	p2 =	slt.u32 s8, $0xFFFFF086  }
0x1c: {  	p1 =	slt.u32 s9, $0xF7A;
	s5 =	simm.s32 @!p2 $0x0  }
0x1d: {  	s5 =	simm.s32 @p1 $0x1;
	p0 =	seq.s32 s7, s2  }
0x1e: {  	s7 =	smul.u32 @!p0 $0xF7A, s2;
	p2 =	seq.s32 @!p0 s5, $0x0  }
0x1f: {  	s9 =	smul.u32 $0xF7A, s1;
	s8 =	simm.s32 @!p0 $0x1BF5;
	p2 =	por !p2, p0  }
0x20: {  	[sflag:s8] =	ssyncset.s32 @!p0 $0xFFFFF086;
	s6 =	sadd.s32 @!p0 s3, s7;
	s7 =	simm.s32 @!p0 $0x108  }
0x21: {  	s3 =	sadd.s32 s3, s9;
	s6 =	sadd.s32 @!p0 $0x88, s6;
	s7 =	simm.s32 @p2 $0x1082  }
0x22: {  	[simem:s7], [sflag:s8] =	dma.local @!p0 [hbm:s6], $0xF7A  }
0x23: {  	s9 =	sor.u32 $0xD0000000, s2;
	s6 =	simm.s32 $0x108;
	_ =	swait.ge @!p0 [sflag:s8], $0x0  }
0x24: {  	s3 =	sadd.s32 $0x88, s3;
	s6 =	simm.s32 @!p1 $0x1082;
	[sflag:s4] =	ssyncset.s32 $0xFFFFF086  }
0x25: {  	[simem:s6], [sflag:s4] =	dma.local [hbm:s3], $0xF7A  }
0x26: {  	[smem:$0x3F92] =	sst s1;
	(tag) =	ssettag s2;
	_ =	strace s9  }
0x27: {  	s1 =	sld [smem:$0x3FA2]  }
0x28: {  	s2 =	sld [smem:$0x3FA3]  }
0x29: {  	s4 =	sld [smem:$0x3FA5]  }
0x2a: {  	p0 =	seq.s32 s5, $0x0;
	s5 =	sld [smem:$0x3FA6]  }
0x2b: {  	s6 =	sld [smem:$0x3FA7]  }
0x2c: {  	s7 =	sld [smem:$0x3FA8]  }
0x2d: {  	s3 =	simm.s32 $0x108;
	s8 =	sld [smem:$0x3FA9]  }
0x2e: {  	s3 =	simm.s32 @!p0 $0x1082;
	s9 =	sld [smem:$0x3FAA]  }
0x2f: {  	lr =	sadd.s32 s0, s3;
	s0 =	sld [smem:$0x3FA1]  }
0x30: {  	s3 =	sld [smem:$0x3FA4]  }
0x31: {  	[smem:$0x3FAD] =	sst s10  }
0x32: {  	s10 =	sld [smem:$0x3FAB];
	_ =	sdelay $0x3  }
0x33: {  	p0 =	seq.s32 s10, $0x1;
	s10 =	sld [smem:$0x3FAD];
	_ =	sdelay $0x3  }
0x34: {  	[smem:$0x3FAD] =	sst s10  }
0x35: {  	s10 =	sld [smem:$0x3FAC];
	_ =	sdelay $0x3  }
0x36: {  	p1 =	seq.s32 s10, $0x1;
	s10 =	sld [smem:$0x3FAD];
	_ =	sdelay $0x3  }
0x37: {  	[smem:$0x3FAD] =	sst s10  }
0x38: {  	s10 =	sld [smem:$0x3FAE]  }
0x39: {  	_ = 	snop;
	(pc) =	sbr.ind lr, $3  }
0x3a: {  	_ = 	snop  }
0x3b: {  	_ = 	snop  }
0x3c: {  	p2 =	seq.s32 s10, $0x1;
	s10 =	sld [smem:$0x3FAD]  }
0x3d: {  	_ =	shalt  }
0x3e: {  	_ =	shalt  }
0x3f: {  	_ =	shalt  }
0x40: {  	_ =	shalt  }
0x41: {  	_ =	shalt  }
0x42: {  	_ =	shalt  }
0x43: {  	_ =	shalt  }
0x44: {  	_ =	shalt  }
0x45: {  	_ =	shalt  }
0x46: {  	_ =	shalt  }
0x47: {  	_ =	shalt  }
0x48: {  	_ =	shalt  }
0x49: {  	_ =	shalt  }
0x4a: {  	_ =	shalt  }
0x4b: {  	_ =	shalt  }
0x4c: {  	_ =	shalt  }
0x4d: {  	_ =	shalt  }
0x4e: {  	_ =	shalt  }
0x4f: {  	_ =	shalt  }
0x50: {  	_ =	shalt  }
0x51: {  	_ =	shalt  }
0x52: {  	_ =	shalt  }
0x53: {  	_ =	shalt  }
0x54: {  	_ =	shalt  }
0x55: {  	_ =	shalt  }
0x56: {  	_ =	shalt  }
0x57: {  	_ =	shalt  }
0x58: {  	_ =	shalt  }
0x59: {  	_ =	shalt  }
0x5a: {  	_ =	shalt  }
0x5b: {  	_ =	shalt  }
0x5c: {  	_ =	shalt  }
0x5d: {  	_ =	shalt  }
0x5e: {  	_ =	shalt  }
0x5f: {  	_ =	shalt  }
0x60: {  	_ =	shalt  }
0x61: {  	_ =	shalt  }
0x62: {  	_ =	shalt  }
0x63: {  	_ =	shalt  }
0x64: {  	_ =	shalt  }
0x65: {  	_ =	shalt  }
0x66: {  	_ =	shalt  }
0x67: {  	_ =	shalt  }
0x68: {  	_ =	shalt  }
0x69: {  	_ =	shalt  }
0x6a: {  	_ =	shalt  }
0x6b: {  	_ =	shalt  }
0x6c: {  	_ =	shalt  }
0x6d: {  	_ =	shalt  }
0x6e: {  	_ =	shalt  }
0x6f: {  	_ =	shalt  }
0x70: {  	_ =	shalt  }
0x71: {  	_ =	shalt  }
0x72: {  	_ =	shalt  }
0x73: {  	_ =	shalt  }
0x74: {  	_ =	shalt  }
0x75: {  	_ =	shalt  }
0x76: {  	_ =	shalt  }
0x77: {  	_ =	shalt  }
0x78: {  	_ =	shalt  }
0x79: {  	_ =	shalt  }
0x7a: {  	_ =	shalt  }
0x7b: {  	_ =	shalt  }
0x7c: {  	_ =	shalt  }
0x7d: {  	_ =	shalt  }
0x7e: {  	_ =	shalt  }
0x7f: {  	_ =	shalt  }
0x80: {  	_ =	shalt  }
0x81: {  	_ =	shalt  }
0x82: {  	_ =	shalt  }
0x83: {  	_ =	shalt  }
0x84: {  	_ =	shalt  }
0x85: {  	_ =	shalt  }
0x86: {  	_ =	shalt  }
0x87: {  	_ =	shalt  }
.Lfunc_end0:
.L_simem_size_0:
called_computation_lowered:
.L_overlay_start_0:
0x88: {  	s2 =	sld [smem:$0x3FD9]  }
0x89: {  	s3 =	sld [smem:$0x3FFE];
	_ =	sdelay $0x1  }
0x8a: {  	s1 =	srdreg.scid  }
0x8b: {  	s0 =	sand.u32 $0x1, s1  }
0x8c: {  	s17 =	sshll.u32 s0, $0xA;
	s2 =	sadd.s32 s3, s2  }
0x8d: {  	s2 =	sadd.s32 s2, s17  }
0x8e: {  	[smem:$0x3FB9] =	sst s2  }
0x8f: {  	_ = 	snop  }
0x90: {  	s2 =	sld [smem:$0x3FD0];
	(tm) =	ssettm $0x1  }
0x91: {  	s18 =	sld [smem:$0x3FFB];
	_ =	sdelay $0x3  }
0x92: {  	_ =	strace s18  }
0x93: {  	s3 =	sld [smem:$0x3FFC];
	_ =	sdelay $0x3  }
0x94: {  	_ =	strace s3  }
0x95: {  	s3 =	sld [smem:$0x3FFD];
	_ =	sdelay $0x3  }
0x96: {  	_ =	strace s3  }
0x97: {  	_ =	strace $0x8FFFFFFF  }
0x98: {  	s19 =	sld [smem:$0x3FDB];
	_ =	sdelay $0x1  }
0x99: {  	s4 =	simm.s32 $_scs_section_size  }
0x9a: {  	s5 =	simm.s32 $_size__tile_overlayer_lowered;
	s6 =	simm.s32 $_tile_overlayer_lowered  }
0x9b: {  	s22 =	simm.s32 $0x1BFF;
	s21 =	sshll.u32 s6, $0x1;
	s3 =	sadd.s32 s4, s19  }
0x9c: {  	s7 =	simm.s32 $0x0;
	s20 =	sshll.u32 s5, $0x1;
	s5 =	sadd.s32 s21, s3  }
0x9d: {  	[timem:s7], [sflag:s22] =	dma.local [hbm:s5], s20  }
0x9e: {  	_ =	swait.ge [sflag:s22], s20  }
0x9f: {  	s4 =	ssub.s32 $0x0, s20;
	[sflag:s22] =	ssyncset.done $0x0  }
0xa0: {  	[sflag:s22] =	ssyncadd.s32 s4;
	_ =	sdelay $0x1  }
0xa1: {  	s23 =	simm.s32 $0x1B8B  }
0xa2: {  	_ =	swait.ge [sflag:s23], $0x1  }
0xa3: {  	[sflag:s23] =	ssyncset.done $0x0  }
0xa4: {  	s25 =	simm.s32 $0x1B8E;
	s24 =	sld [smem:$0x3FFE];
	[sflag:s23] =	ssyncadd.s32 $0xFFFFFFFF  }
0xa5: {  	s26 =	simm.s32 $execute0_lowered;
	[smem:$0x3FD2] =	sst s25  }
0xa6: {  	s5 =	sshll.u32 s26, $0x1;
	_ =	strace $0x80000046;
	[dreg:$0x1] =	wrdreg $0xFFFFFFFF  }
0xa7: {  	s28 =	simm.s32 $_size_execute0_lowered;
	s3 =	sadd.s32 s3, s5;
	[dreg:$0x0] =	wrdreg $0x0  }
0xa8: {  	s5 =	sshll.u32 s28, $0x1;
	[dreg:$0x2] =	wrdreg s3  }
0xa9: {  	[dreg:$0x3] =	wrdreg s5  }
0xaa: {  	[dreg:$0x4] =	wrdreg $0xC0  }
0xab: {  	_ =	task [dreg:s7], $0x5FFFF  }
0xac: {  	[dreg:$0x1] =	wrdreg $0xFFFFFFFF  }
0xad: {  	[dreg:$0x0] =	wrdreg $0x60  }
0xae: {  	[dreg:$0x2] =	wrdreg s2  }
0xaf: {  	[dreg:$0x3] =	wrdreg s24  }
0xb0: {  	[dreg:$0x4] =	wrdreg $0x12F500  }
0xb1: {  	[dreg:$0x5] =	wrdreg $0x1CF500  }
0xb2: {  	[dreg:$0x6] =	wrdreg $0x9  }
0xb3: {  	_ =	task.clear_ibuf [dreg:s7], $0x7FFFF;
	_ =	strace $0x90000046  }
0xb4: {  	s29 =	simm.s32 $0x9;
	_ =	strace $0x80000048  }
0xb5: {  	_ =	swait.ge [sflag:s29], $0x1  }
0xb6: {  	[sflag:s29] =	ssyncadd.s32 $0xFFFFFFFF  }
0xb7: {  	_ =	strace $0x90000048  }
0xb8: {  	_ =	sfence  }
0xb9: {  	s30 =	sld [smem:$0x0];
	_ =	sdelay $0x2  }
0xba: {  	s31 =	sshll.u32 s1, $0xD;
	s1 =	sshrl.u32 s1, $0x2  }
0xbb: {  	s3 =	sand.u32 $0x4000, s31;
	s1 =	sadd.s32 s1, s30  }
0xbc: {  	s0 =	sor.u32 s3, s0;
	s1 =	sshll.u32 s1, $0x11  }
0xbd: {  	s0 =	sor.u32 s1, s0  }
0xbe: {  	s0 =	sadd.s32 $0x8F2B, s0  }
0xbf: {  	[sflag:s0] =	ssyncadd.remote.s32 $0x1  }
0xc0: {  	_ =	sfence.sel $0xFFFF  }
0xc1: {  	[dreg:$0x0] =	wrdreg $0xFFFFFFFF;
	(pc) =	sbr.abs _section_cstart, $3  }
0xc2: {  	[dreg:$0x1] =	wrdreg $0xFFFFFFFF  }
0xc3: {  	_ =	task.clear_ibuf [dreg:s7], $0x2FFFF;
	_ =	strace $0x9FFFFFFF  }
0xc4: {  	(tm) =	ssettm $0x7FFFFFFF  }
0xc5: {  	_ =	shalt  }
tec
execute0_lowered:
.L_overlay_start_1:
0x0: {  	(tag) =	ssettag $0x1  }
0x1: {  	s0 =	rddreg [dreg:$0x0]  }
0x2: {  	s1 =	rddreg [dreg:$0x1]  }
0x3: {  	s2 =	rddreg [dreg:$0x2];
	s14 =	stileid.u32  }
0x4: {  	s15 =	rddreg [dreg:$0x3];
	s3 =	smul.u32 $0x4E80, s14  }
0x5: {  	s5 =	srdreg.scid;
	s6 =	smul.u32 $0x14000, s14  }
0x6: {  	s4 =	simm.s32 $0x0;
	s7 =	sand.u32 $0x1, s5;
	s8 =	smul.u32 $0x280, s14  }
0x7: {  	[smem:$0x7FF] =	sst s4;
	p0 =	seq.s32 s14, $0xF;
	s11 =	smul.u32 $0x28000, s14  }
0x8: {  	s30 =	sadd.s32 $0xC330, s1;
	p1 =	sne.s32 s14, $0xF;
	s14 =	simm.s32 $0xBF00  }
0x9: {  	s5 =	smul.u32 $0x2800, s7;
	_ =	strace $0x80000047;
	s9 =	sshll.u32 s7, $0x6  }
0xa: {  	s26 =	ssub.s32 $0x2, s7;
	s13 =	smul.u32 $0x13880, s7;
	[dreg:$0x7] =	wrdreg s30  }
0xb: {  	s3 =	sshrl.u32 s3, $0x3;
	s6 =	sor.u32 s9, s6;
	s10 =	sshrl.u32 s26, $0x1  }
0xc: {  	s29 =	sshrl.u32 s11, $0x2;
	s11 =	sadd.s32 s8, s15;
	s3 =	sadd.s32 s3, s1  }
0xd: {  	s5 =	sadd.s32 s8, s5;
	s6 =	sshrl.u32 s6, $0x3;
	s28 =	sadd.s32 $0x3000, s3  }
0xe: {  	s9 =	ssub.s32 s26, s10;
	s3 =	sadd.s32 $0xCC40, s3;
	[dreg:$0x5] =	wrdreg s28  }
0xf: {  	s10 =	sadd.s32 s29, s2;
	s15 =	smax.u32 s9, $0x1;
	[dreg:$0x6] =	wrdreg s3  }
0x10: {  	s13 =	sadd.s32 s0, s13;
	s16 =	sadd.s32 $0x800, s10;
	[dreg:$0xc] =	wrdreg s15  }
0x11: {  	s5 =	sshrl.u32 s5, $0x3;
	s17 =	sadd.s32 $0x1000, s10;
	[dreg:$0xd] =	wrdreg s16  }
0x12: {  	s6 =	sadd.s32 s6, s1;
	s18 =	sadd.s32 $0x1800, s10;
	[dreg:$0xe] =	wrdreg s17  }
0x13: {  	s19 =	sadd.s32 $0x2000, s10;
	s20 =	sadd.s32 $0x2800, s10;
	[dreg:$0xf] =	wrdreg s18  }
0x14: {  	s21 =	sadd.s32 $0x3000, s10;
	s22 =	sadd.s32 $0x3800, s10;
	[dreg:$0x10] =	wrdreg s19  }
0x15: {  	s24 =	sadd.s32 $0x4000, s10;
	s25 =	sadd.s32 $0x4800, s10;
	[dreg:$0x11] =	wrdreg s20  }
0x16: {  	s26 =	sadd.s32 $0x5000, s10;
	s29 =	sadd.s32 $0x6000, s10;
	[dreg:$0x12] =	wrdreg s21  }
0x17: {  	s30 =	sadd.s32 $0x6800, s10;
	s31 =	sadd.s32 $0x7000, s10;
	[dreg:$0x13] =	wrdreg s22  }
0x18: {  	s0 =	sadd.s32 $0x7800, s10;
	s9 =	simm.s32 $0x80;
	[dreg:$0x14] =	wrdreg s24  }
0x19: {  	s12 =	sadd.s32 s5, s1;
	s5 =	simm.s32 $0x91;
	[dreg:$0x15] =	wrdreg s25  }
0x1a: {  	s1 =	sadd.s32 $0x15F70, s1;
	s3 =	sadd.s32 $0x10700, s8;
	[dreg:$0x16] =	wrdreg s26  }
0x1b: {  	s8 =	sadd.s32 $0x17400, s6;
	s28 =	sadd.s32 $0x5800, s10;
	[dreg:$0x18] =	wrdreg s29  }
0x1c: {  	[dreg:$0x19] =	wrdreg s30;
	s6 =	sadd.s32 $0x9000, s10;
	s15 =	simm.s32 $0xDF00  }
0x1d: {  	s16 =	simm.s32 $0x4;
	s17 =	simm.s32 $0x5;
	s5 =	simm.s32 @!p0 $0x9D  }
0x1e: {  	s18 =	simm.s32 $0x1;
	s20 =	simm.s32 $0x3;
	s23 =	sshll.u32 s5, $0x7  }
0x1f: {  	s21 =	simm.s32 $0x6;
	[dreg:$0x8] =	wrdreg s1;
	s19 =	sor.u32 $0x40, s23  }
.Ltmp0:
0x20: {  	[dreg:$0x9] =	wrdreg s3;
	s22 =	sadd.s32 $0x4FC0, s23;
	v0 =	vmov s19;
	(pc) =	sbr.rel .LBB2_1-.Ltmp0, $4  }
0x21: {  	[dreg:$0xa] =	wrdreg s8;
	s12 =	sadd.s32 $0x16A00, s12;
	p0 =	seq.s32 s7, $0x0;
	v2 =	vmov s22  }
0x22: {  	v1 =	vlaneseq.u32;
	[dreg:$0x17] =	wrdreg s28;
	s3 =	sadd.s32 $0x8000, s10;
	s1 =	sadd.s32 $0x8800, s10  }
0x23: {  	v3 =	vimm.f32 $0.0e+00;
	v4 =	vor.u32 $0x10, v1;
	s7 =	sadd.s32 $0x9800, s10;
	s8 =	simm.s32 $0xFF00;
	[dreg:$0xb] =	wrdreg s12  }
0x24: {  	v5 =	vor.u32 $0x20, v1;
	v6 =	vor.u32 $0x30, v1;
	v7 =	vor.u32 $0x40, v1;
	s12 =	simm.s32 $0x9F00;
	s19 =	simm.s32 $0x2;
	s22 =	simm.s32 $0x7  }
.LBB2_10:
0x25: {  	_ =	swait.ge [sflag:s16], $0x2000  }
0x26: {  	[sflag:s16] =	ssyncset.done $0x0  }
0x27: {  	[sflag:s16] =	ssyncadd.s32 $0xFFFFE000  }
0x28: {  	_ =	swait.ge [sflag:s17], $0x2000  }
0x29: {  	[sflag:s17] =	ssyncset.done $0x0  }
0x2a: {  	[sflag:s17] =	ssyncadd.s32 $0xFFFFE000  }
0x2b: {  	_ =	swait.ge [sflag:s21], $0x2000  }
0x2c: {  	[sflag:s21] =	ssyncset.done $0x0  }
0x2d: {  	s24 =	simm.s32 $0x50;
	[sflag:s21] =	ssyncadd.s32 $0xFFFFE000  }
0x2e: {  	s25 =	simm.s32 $0x12F00;
	s26 =	simm.s32 $0x10700;
	s23 =	rddreg [dreg:$0x3]  }
0x2f: {  	[spmem:s23] =	stream.indirect.scatter.add.f32 [tilespmem:s26], [sflag:$0x7], $0x80, s25, s24, $0xb8;
	[tilespmem:$0x1D1D0] =	vst v63  }
0x30: {  	_ =	swait.ge [sflag:s22], $0x2800  }
0x31: {  	[sflag:s22] =	ssyncset.done $0x0  }
0x32: {  	s30 =	simm.s32 $0x10;
	s25 =	stileid.u32;
	[sflag:s22] =	ssyncadd.s32 $0xFFFFD800  }
0x33: {  	s28 =	simm.s32 $0x8;
	s23 =	sshll.u32 s25, $0x6;
	[bflag:$0x0] =	sbarrier.arrive $0xFFFF  }
0x34: {  	s26 =	sshrl.u32 s10, $0x3;
	s23 =	sor.u32 $0x1C07, s23;
	s29 =	rddreg [dreg:$0xa]  }
0x35: {  	[hbm:s29@s30], [sflag:s23] =	dma.strided [spmem:s26@s28], $0x1400, s18, $0x8   }
0x36: {  	_ =	swait.ge [sflag:s22], $0x1400  }
0x37: {  	[sflag:s22] =	ssyncset.done $0x0  }
0x38: {  	s28 =	sshrl.u32 s11, $0x3;
	s29 =	rddreg [dreg:$0xb];
	[sflag:s22] =	ssyncadd.s32 $0xFFFFEC00  }
0x39: {  	[hbm:s29], [sflag:s23] =	dma.local [spmem:s28], $0x50  }
0x3a: {  	_ =	swait.ge [sflag:s22], $0x50  }
0x3b: {  	s4 =	sadd.s32 $0x1, s4;
	s30 =	rddreg [dreg:$0xc]  }
0x3c: {  	p2 =	sne.s32 s4, s30  }
.Ltmp1:
0x3d: {  	_ = 	snop;
	(pc) =	sbr.rel @!p2 .LBB2_11-.Ltmp1, $3  }
0x3e: {  	_ =	sdelay $0x1  }
0x3f: {  	[sflag:s22] =	ssyncset.done $0x0  }
0x40: {  	[sflag:s22] =	ssyncadd.s32 $0xFFFFFFB0  }
.LBB2_1:
0x41: {  	s23 =	simm.s32 @p1 $0x0;
	s24 =	rddreg [dreg:$0x5]  }
0x42: {  	[tilespmem:s23], [sflag:$0x1] =	stream.linear.gather @p1 [hbm4b:s24+s23], $0x4E80, $0x38;
	[tilespmem:$0x1D1D0] =	vst v63  }
0x43: {  	s25 =	rddreg [dreg:$0x6];
	s24 =	simm.s32 @p1 $0x4F80  }
0x44: {  	[tilespmem:s24], [sflag:$0x2] =	stream.linear.gather @p1 [hbm4b:s25+s23], $0x4E80, $0x38;
	[tilespmem:$0x1D1D0] =	vst v63  }
0x45: {  	s23 =	simm.s32 @!p1 $0x0;
	s24 =	rddreg [dreg:$0x7]  }
0x46: {  	[tilespmem:s23], [sflag:$0x1] =	stream.linear.gather @!p1 [hbm4b:s24+s23], $0x4880, $0x38;
	[tilespmem:$0x1D1D0] =	vst v63  }
0x47: {  	s25 =	rddreg [dreg:$0x8];
	s24 =	simm.s32 @!p1 $0x4F80  }
0x48: {  	[tilespmem:s24], [sflag:$0x2] =	stream.linear.gather @!p1 [hbm4b:s25+s23], $0x4880, $0x38;
	[tilespmem:$0x1D1D0] =	vst v63  }
0x49: {  	s23 =	simm.s32 $0x0  }
.LBB2_2:
0x4a: {  	p2 =	sne.s32 s23, $0x1F00  }
.Ltmp2:
0x4b: {  	s24 =	sshra.s32 s23, $0x2;
	(pc) =	sbr.rel @p2 .LBB2_2-.Ltmp2, $4  }
0x4c: {  	[tilespmem:s24+$0xFF00] =	vst v3  }
0x4d: {  	[tilespmem:s24+$0xFF10] =	vst v3  }
0x4e: {  	[tilespmem:s24+$0xFF20] =	vst v3  }
0x4f: {  	s23 =	sadd.s32 $0x100, s23;
	[tilespmem:s24+$0xFF30] =	vst v3  }
0x50: {  	s23 =	simm.s32 $0x70;
	s24 =	simm.s32 $0x3C0  }
.LBB2_4:
0x51: {  	p2 =	sne.s32 s24, $0x9FC0;
	[tilespmem:s23+$0x10700] =	vst v3  }
0x52: {  	[tilespmem:s23+$0x10690] =	vst v3  }
0x53: {  	[tilespmem:s23+$0x106A0] =	vst v3  }
.Ltmp3:
0x54: {  	[tilespmem:s23+$0x106B0] =	vst v3;
	(pc) =	sbr.rel @p2 .LBB2_4-.Ltmp3, $4  }
0x55: {  	[tilespmem:s23+$0x106C0] =	vst v3  }
0x56: {  	[tilespmem:s23+$0x106D0] =	vst v3  }
0x57: {  	[tilespmem:s23+$0x106E0] =	vst v3  }
0x58: {  	[tilespmem:s23+$0x106F0] =	vst v3;
	s23 =	sshra.s32 s24, $0x2;
	s24 =	sadd.s32 $0x200, s24  }
0x59: {  	[tilespmem:s23+$0x10700] =	vst v3  }
0x5a: {  	[tilespmem:s23+$0x10690] =	vst v3  }
0x5b: {  	[tilespmem:s23+$0x106A0] =	vst v3  }
0x5c: {  	[tilespmem:s23+$0x106B0] =	vst v3  }
0x5d: {  	[tilespmem:s23+$0x106C0] =	vst v3  }
0x5e: {  	[tilespmem:s23+$0x106D0] =	vst v3  }
0x5f: {  	[tilespmem:s23+$0x106E0] =	vst v3  }
0x60: {  	[tilespmem:s23+$0x106F0] =	vst v3  }
0x61: {  	[tilespmem:$0x12F00] =	vst v1  }
0x62: {  	[tilespmem:$0x12F10] =	vst v4  }
0x63: {  	[tilespmem:$0x12F20] =	vst v5  }
0x64: {  	[tilespmem:$0x12F30] =	vst v6  }
0x65: {  	[tilespmem:$0x12F40] =	vst v7  }
0x66: {  	[spmem:s10] =	stream.linear.scatter [tilespmem:s8], [sflag:$0x4], $0x800, $0x38;
	[tilespmem:$0x1D1D0] =	vst v63  }
0x67: {  	s29 =	rddreg [dreg:$0xd]  }
0x68: {  	[spmem:s29] =	stream.linear.scatter [tilespmem:s8], [sflag:$0x4], $0x800, $0x38;
	[tilespmem:$0x1D1D0] =	vst v63  }
0x69: {  	s30 =	rddreg [dreg:$0xe]  }
0x6a: {  	[spmem:s30] =	stream.linear.scatter [tilespmem:s8], [sflag:$0x4], $0x800, $0x38;
	[tilespmem:$0x1D1D0] =	vst v63  }
0x6b: {  	s24 =	rddreg [dreg:$0xf]  }
0x6c: {  	[spmem:s24] =	stream.linear.scatter [tilespmem:s8], [sflag:$0x4], $0x800, $0x38;
	[tilespmem:$0x1D1D0] =	vst v63  }
0x6d: {  	s25 =	rddreg [dreg:$0x10]  }
0x6e: {  	[spmem:s25] =	stream.linear.scatter [tilespmem:s8], [sflag:$0x4], $0x800, $0x38;
	[tilespmem:$0x1D1D0] =	vst v63  }
0x6f: {  	s26 =	rddreg [dreg:$0x11]  }
0x70: {  	[spmem:s26] =	stream.linear.scatter [tilespmem:s8], [sflag:$0x4], $0x800, $0x38;
	[tilespmem:$0x1D1D0] =	vst v63  }
0x71: {  	s28 =	rddreg [dreg:$0x12]  }
0x72: {  	[spmem:s28] =	stream.linear.scatter [tilespmem:s8], [sflag:$0x4], $0x800, $0x38;
	[tilespmem:$0x1D1D0] =	vst v63  }
0x73: {  	s29 =	rddreg [dreg:$0x13]  }
0x74: {  	[spmem:s29] =	stream.linear.scatter [tilespmem:s8], [sflag:$0x4], $0x800, $0x38;
	[tilespmem:$0x1D1D0] =	vst v63  }
0x75: {  	s30 =	rddreg [dreg:$0x14]  }
0x76: {  	[spmem:s30] =	stream.linear.scatter [tilespmem:s8], [sflag:$0x4], $0x800, $0x38;
	[tilespmem:$0x1D1D0] =	vst v63  }
0x77: {  	s24 =	rddreg [dreg:$0x15]  }
0x78: {  	[spmem:s24] =	stream.linear.scatter [tilespmem:s8], [sflag:$0x4], $0x800, $0x38;
	[tilespmem:$0x1D1D0] =	vst v63  }
0x79: {  	s25 =	rddreg [dreg:$0x16]  }
0x7a: {  	[spmem:s25] =	stream.linear.scatter [tilespmem:s8], [sflag:$0x4], $0x800, $0x38;
	[tilespmem:$0x1D1D0] =	vst v63  }
0x7b: {  	s26 =	rddreg [dreg:$0x17]  }
0x7c: {  	[spmem:s26] =	stream.linear.scatter [tilespmem:s8], [sflag:$0x4], $0x800, $0x38;
	[tilespmem:$0x1D1D0] =	vst v63  }
0x7d: {  	s28 =	rddreg [dreg:$0x18]  }
0x7e: {  	[spmem:s28] =	stream.linear.scatter [tilespmem:s8], [sflag:$0x4], $0x800, $0x38;
	[tilespmem:$0x1D1D0] =	vst v63  }
0x7f: {  	s29 =	rddreg [dreg:$0x19]  }
0x80: {  	[spmem:s29] =	stream.linear.scatter [tilespmem:s8], [sflag:$0x4], $0x800, $0x38;
	[tilespmem:$0x1D1D0] =	vst v63  }
0x81: {  	_ = 	snop  }
0x82: {  	[spmem:s31] =	stream.linear.scatter [tilespmem:s8], [sflag:$0x4], $0x800, $0x38;
	[tilespmem:$0x1D1D0] =	vst v63  }
0x83: {  	_ = 	snop  }
0x84: {  	[spmem:s0] =	stream.linear.scatter [tilespmem:s8], [sflag:$0x4], $0x800, $0x38;
	[tilespmem:$0x1D1D0] =	vst v63  }
0x85: {  	_ = 	snop  }
0x86: {  	[spmem:s3] =	stream.linear.scatter [tilespmem:s8], [sflag:$0x4], $0x800, $0x38;
	[tilespmem:$0x1D1D0] =	vst v63  }
0x87: {  	_ = 	snop  }
0x88: {  	[spmem:s1] =	stream.linear.scatter [tilespmem:s8], [sflag:$0x4], $0x800, $0x38;
	[tilespmem:$0x1D1D0] =	vst v63  }
0x89: {  	_ = 	snop  }
0x8a: {  	[spmem:s6] =	stream.linear.scatter [tilespmem:s8], [sflag:$0x4], $0x800, $0x38;
	[tilespmem:$0x1D1D0] =	vst v63  }
0x8b: {  	_ = 	snop  }
0x8c: {  	[spmem:s7] =	stream.linear.scatter [tilespmem:s8], [sflag:$0x4], $0x800, $0x38;
	[tilespmem:$0x1D1D0] =	vst v63  }
0x8d: {  	s23 =	simm.s32 @p1 $0x1;
	s30 =	rddreg [dreg:$0x9]  }
0x8e: {  	[spmem:s11] =	stream.linear.scatter [tilespmem:s30], [sflag:$0x5], $0x280, $0x38;
	[tilespmem:$0x1D1D0] =	vst v63  }
0x8f: {  	_ =	swait.ge @p1 [sflag:s23], $0x4E80  }
0x90: {  	[sflag:s23] =	ssyncset.done @p1 $0x0  }
0x91: {  	[sflag:s23] =	ssyncadd.s32 @p1 $0xFFFFB180;
	s23 =	simm.s32 @p1 $0x2  }
0x92: {  	_ =	swait.ge @p1 [sflag:s23], $0x4E80  }
0x93: {  	[sflag:s23] =	ssyncset.done @p1 $0x0  }
0x94: {  	[sflag:s23] =	ssyncadd.s32 @p1 $0xFFFFB180;
	s23 =	simm.s32 @!p1 $0x1  }
0x95: {  	_ =	swait.ge @!p1 [sflag:s23], $0x4880  }
0x96: {  	[sflag:s23] =	ssyncset.done @!p1 $0x0  }
0x97: {  	[sflag:s23] =	ssyncadd.s32 @!p1 $0xFFFFB780;
	s23 =	simm.s32 @!p1 $0x2  }
0x98: {  	_ =	swait.ge @!p1 [sflag:s23], $0x4880  }
0x99: {  	p2 =	sgt.u32 s5, $0x9E;
	[sflag:s23] =	ssyncset.done @!p1 $0x0  }
0x9a: {  	v8 =	vimm.s32 @!p2 $0x0;
	[sflag:s23] =	ssyncadd.s32 @!p1 $0xFFFFB780;
	s23 =	simm.s32 @!p2 $0x0;
	p2 =	por p2, p2  }
0x9b: {  	[tilespmem:v0+s23+$0xFFFFFFC0 ss:$0x1] =	vst.idx.msk @!p2 $0xffff, v8;
	v9 =	vimm.s32 @!p2 $0x2710  }
0x9c: {  	[tilespmem:v2+s23+$0xFFFFFFC0 ss:$0x1] =	vst.idx.msk @!p2 $0xffff, v9  }
0x9d: {  	[tilespmem:v0+s23+$0xFFFFFFD0 ss:$0x1] =	vst.idx.msk @!p2 $0xffff, v8  }
0x9e: {  	[tilespmem:v2+s23+$0xFFFFFFD0 ss:$0x1] =	vst.idx.msk @!p2 $0xffff, v9  }
0x9f: {  	[tilespmem:v0+s23+$0xFFFFFFE0 ss:$0x1] =	vst.idx.msk @!p2 $0xffff, v8  }
0xa0: {  	[tilespmem:v2+s23+$0xFFFFFFE0 ss:$0x1] =	vst.idx.msk @!p2 $0xffff, v9  }
0xa1: {  	[tilespmem:v0+s23+$0xFFFFFFF0 ss:$0x1] =	vst.idx.msk @!p2 $0xffff, v8  }
0xa2: {  	[tilespmem:v2+s23+$0xFFFFFFF0 ss:$0x1] =	vst.idx.msk @!p2 $0xffff, v9  }
0xa3: {  	[tilespmem:v0+s23+$0x0 ss:$0x1] =	vst.idx.msk @!p2 $0xffff, v8  }
0xa4: {  	[tilespmem:v2+s23+$0x0 ss:$0x1] =	vst.idx.msk @!p2 $0xffff, v9  }
0xa5: {  	[tilespmem:v0+s23+$0x10 ss:$0x1] =	vst.idx.msk @!p2 $0xffff, v8  }
0xa6: {  	[tilespmem:v2+s23+$0x10 ss:$0x1] =	vst.idx.msk @!p2 $0xffff, v9  }
0xa7: {  	[tilespmem:v0+s23+$0x20 ss:$0x1] =	vst.idx.msk @!p2 $0xffff, v8  }
0xa8: {  	s24 =	simm.s32 $0x200;
	s25 =	sadd.s32 $0x1, s5;
	[tilespmem:v2+s23+$0x20 ss:$0x1] =	vst.idx.msk @!p2 $0xffff, v9  }
.LBB2_6:
0xa9: {  	p4 =	sgt.u32 s25, $0x9E;
	[tilespmem:v0+s23+$0x30 ss:$0x1] =	vst.idx.msk @!p2 $0xffff, v8;
	s26 =	smov.u32 s24;
	s24 =	sadd.s32 $0x200, s24  }
0xaa: {  	v8 =	vimm.s32 @!p4 $0x0;
	p3 =	sne.s32 s24, $0x1C00;
	[tilespmem:v2+s23+$0x30 ss:$0x1] =	vst.idx.msk @!p2 $0xffff, v9;
	s23 =	sshra.s32 @!p4 s26, $0x2;
	p2 =	por p4, p4  }
0xab: {  	[tilespmem:v0+s23+$0xFFFFFFC0 ss:$0x1] =	vst.idx.msk @!p2 $0xffff, v8;
	v9 =	vimm.s32 @!p2 $0x2710  }
0xac: {  	[tilespmem:v2+s23+$0xFFFFFFC0 ss:$0x1] =	vst.idx.msk @!p2 $0xffff, v9  }
0xad: {  	[tilespmem:v0+s23+$0xFFFFFFD0 ss:$0x1] =	vst.idx.msk @!p2 $0xffff, v8  }
0xae: {  	[tilespmem:v2+s23+$0xFFFFFFD0 ss:$0x1] =	vst.idx.msk @!p2 $0xffff, v9  }
0xaf: {  	[tilespmem:v0+s23+$0xFFFFFFE0 ss:$0x1] =	vst.idx.msk @!p2 $0xffff, v8  }
0xb0: {  	[tilespmem:v2+s23+$0xFFFFFFE0 ss:$0x1] =	vst.idx.msk @!p2 $0xffff, v9  }
0xb1: {  	[tilespmem:v0+s23+$0xFFFFFFF0 ss:$0x1] =	vst.idx.msk @!p2 $0xffff, v8  }
0xb2: {  	[tilespmem:v2+s23+$0xFFFFFFF0 ss:$0x1] =	vst.idx.msk @!p2 $0xffff, v9  }
0xb3: {  	[tilespmem:v0+s23+$0x0 ss:$0x1] =	vst.idx.msk @!p2 $0xffff, v8  }
.Ltmp4:
0xb4: {  	[tilespmem:v2+s23+$0x0 ss:$0x1] =	vst.idx.msk @!p2 $0xffff, v9;
	(pc) =	sbr.rel @p3 .LBB2_6-.Ltmp4, $4  }
0xb5: {  	[tilespmem:v0+s23+$0x10 ss:$0x1] =	vst.idx.msk @!p2 $0xffff, v8  }
0xb6: {  	[tilespmem:v2+s23+$0x10 ss:$0x1] =	vst.idx.msk @!p2 $0xffff, v9  }
0xb7: {  	[tilespmem:v0+s23+$0x20 ss:$0x1] =	vst.idx.msk @!p2 $0xffff, v8  }
0xb8: {  	s25 =	sadd.s32 $0x1, s25;
	[tilespmem:v2+s23+$0x20 ss:$0x1] =	vst.idx.msk @!p2 $0xffff, v9  }
0xb9: {  	_ =	sdelay $0x3  }
0xba: {  	[tilespmem:v0+s23+$0x30 ss:$0x1] =	vst.idx.msk @!p2 $0xffff, v8  }
0xbb: {  	[tilespmem:v2+s23+$0x30 ss:$0x1] =	vst.idx.msk @!p2 $0xffff, v9;
	s23 =	simm.s32 $0x0  }
0xbc: {  	[tilespmem:s12], [sflag:$0x1] =	stream.indirect.gather [hbm4b:s13+s9], $0x40, s23, s9, $0xb8;
	[tilespmem:$0x1D1D0] =	vst v63  }
0xbd: {  	_ = 	snop  }
0xbe: {  	[tilespmem:s14], [sflag:$0x2] =	stream.indirect.gather [hbm4b:s13+s9], $0x40, s9, s9, $0xb8;
	[tilespmem:$0x1D1D0] =	vst v63  }
0xbf: {  	s24 =	simm.s32 $0x100  }
0xc0: {  	[tilespmem:s15], [sflag:$0x3] =	stream.indirect.gather [hbm4b:s13+s9], $0x40, s24, s9, $0xb8;
	[tilespmem:$0x1D1D0] =	vst v63  }
0xc1: {  	_ =	swait.ge [sflag:s16], $0x800  }
0xc2: {  	[sflag:s16] =	ssyncset.done $0x0  }
0xc3: {  	[sflag:s16] =	ssyncadd.s32 $0xFFFFF800  }
0xc4: {  	_ =	swait.ge [sflag:s16], $0x800  }
0xc5: {  	[sflag:s16] =	ssyncset.done $0x0  }
0xc6: {  	[sflag:s16] =	ssyncadd.s32 $0xFFFFF800  }
0xc7: {  	_ =	swait.ge [sflag:s16], $0x800  }
0xc8: {  	[sflag:s16] =	ssyncset.done $0x0  }
0xc9: {  	[sflag:s16] =	ssyncadd.s32 $0xFFFFF800  }
0xca: {  	_ =	swait.ge [sflag:s16], $0x800  }
0xcb: {  	[sflag:s16] =	ssyncset.done $0x0  }
0xcc: {  	[sflag:s16] =	ssyncadd.s32 $0xFFFFF800  }
0xcd: {  	_ =	swait.ge [sflag:s16], $0x800  }
0xce: {  	[sflag:s16] =	ssyncset.done $0x0  }
0xcf: {  	[sflag:s16] =	ssyncadd.s32 $0xFFFFF800  }
0xd0: {  	_ =	swait.ge [sflag:s16], $0x800  }
0xd1: {  	[sflag:s16] =	ssyncset.done $0x0  }
0xd2: {  	[sflag:s16] =	ssyncadd.s32 $0xFFFFF800  }
0xd3: {  	_ =	swait.ge [sflag:s16], $0x800  }
0xd4: {  	[sflag:s16] =	ssyncset.done $0x0  }
0xd5: {  	[sflag:s16] =	ssyncadd.s32 $0xFFFFF800  }
0xd6: {  	_ =	swait.ge [sflag:s16], $0x800  }
0xd7: {  	[sflag:s16] =	ssyncset.done $0x0  }
0xd8: {  	[sflag:s16] =	ssyncadd.s32 $0xFFFFF800  }
0xd9: {  	_ =	swait.ge [sflag:s16], $0x800  }
0xda: {  	[sflag:s16] =	ssyncset.done $0x0  }
0xdb: {  	[sflag:s16] =	ssyncadd.s32 $0xFFFFF800  }
0xdc: {  	_ =	swait.ge [sflag:s16], $0x800  }
0xdd: {  	[sflag:s16] =	ssyncset.done $0x0  }
0xde: {  	[sflag:s16] =	ssyncadd.s32 $0xFFFFF800  }
0xdf: {  	_ =	swait.ge [sflag:s16], $0x800  }
0xe0: {  	[sflag:s16] =	ssyncset.done $0x0  }
0xe1: {  	[sflag:s16] =	ssyncadd.s32 $0xFFFFF800  }
0xe2: {  	_ =	swait.ge [sflag:s16], $0x800  }
0xe3: {  	[sflag:s16] =	ssyncset.done $0x0  }
0xe4: {  	[sflag:s16] =	ssyncadd.s32 $0xFFFFF800  }
0xe5: {  	_ =	swait.ge [sflag:s16], $0x800  }
0xe6: {  	[sflag:s16] =	ssyncset.done $0x0  }
0xe7: {  	[sflag:s16] =	ssyncadd.s32 $0xFFFFF800  }
0xe8: {  	_ =	swait.ge [sflag:s16], $0x800  }
0xe9: {  	[sflag:s16] =	ssyncset.done $0x0  }
0xea: {  	[sflag:s16] =	ssyncadd.s32 $0xFFFFF800  }
0xeb: {  	_ =	swait.ge [sflag:s16], $0x800  }
0xec: {  	[sflag:s16] =	ssyncset.done $0x0  }
0xed: {  	[sflag:s16] =	ssyncadd.s32 $0xFFFFF800  }
0xee: {  	_ =	swait.ge [sflag:s16], $0x800  }
0xef: {  	[sflag:s16] =	ssyncset.done $0x0  }
0xf0: {  	[sflag:s16] =	ssyncadd.s32 $0xFFFFF800  }
0xf1: {  	_ =	swait.ge [sflag:s16], $0x800  }
0xf2: {  	[sflag:s16] =	ssyncset.done $0x0  }
0xf3: {  	[sflag:s16] =	ssyncadd.s32 $0xFFFFF800  }
0xf4: {  	_ =	swait.ge [sflag:s16], $0x800  }
0xf5: {  	[sflag:s16] =	ssyncset.done $0x0  }
0xf6: {  	[sflag:s16] =	ssyncadd.s32 $0xFFFFF800  }
0xf7: {  	_ =	swait.ge [sflag:s16], $0x800  }
0xf8: {  	[sflag:s16] =	ssyncset.done $0x0  }
0xf9: {  	[sflag:s16] =	ssyncadd.s32 $0xFFFFF800  }
0xfa: {  	_ =	swait.ge [sflag:s16], $0x800  }
0xfb: {  	[sflag:s16] =	ssyncset.done $0x0  }
0xfc: {  	[sflag:s16] =	ssyncadd.s32 $0xFFFFF800  }
0xfd: {  	_ =	swait.ge [sflag:s17], $0x280  }
0xfe: {  	[sflag:s17] =	ssyncset.done $0x0  }
0xff: {  	[sflag:s17] =	ssyncadd.s32 $0xFFFFFD80  }
0x100: {  	s24 =	simm.s32 $0x0;
	[bflag:$0x0] =	sbarrier.arrive $0xFFFF  }
.LBB2_8:
0x101: {  	_ =	swait.ge [sflag:s18], $0x2000  }
0x102: {  	s25 =	sshra.s32 s23, $0x2;
	[sflag:s18] =	ssyncset.done $0x0  }
0x103: {  	s26 =	sadd.s32 $0x4F80, s25;
	[sflag:s18] =	ssyncadd.s32 $0xFFFFE000  }
0x104: {  	[spmem:s2] =	stream.indirect.scatter.add.f32 [tilespmem:s12], [sflag:$0x4], $0x40, s26, s9, $0xb8;
	[tilespmem:$0x1D1D0] =	vst v63  }
0x105: {  	p2 =	sgt.u32 s24, $0x1A;
	s28 =	simm.s32 $0x1;
	s26 =	simm.s32 $0x1  }
0x106: {  	s28 =	simm.s32 @!p0 $0x0;
	s26 =	simm.s32 @!p2 $0x0  }
0x107: {  	p2 =	seq.s32 s28, s26  }
0x108: {  	s26 =	sshra.s32 @!p2 s23, $0x2  }
0x109: {  	v8 =	vld @!p2 [tilespmem:s26+$0x4F80];
	_ =	sdelay $0x6  }
0x10a: {  	v9 =	vimm.f32 @!p2 $1.000000000e+00;
	s29 =	simm.s32 @!p2 $0x10700  }
0x10b: {  	[tilespmem:v8+s29+$0x0] =	vst.idx.add.f32.msk @!p2 $0xffff, v9  }
0x10c: {  	v8 =	vld @!p2 [tilespmem:s26+$0x4F90];
	_ =	sdelay $0x7  }
0x10d: {  	[tilespmem:v8+s29+$0x0] =	vst.idx.add.f32.msk @!p2 $0xffff, v9  }
0x10e: {  	v8 =	vld @!p2 [tilespmem:s26+$0x4FA0];
	_ =	sdelay $0x7  }
0x10f: {  	[tilespmem:v8+s29+$0x0] =	vst.idx.add.f32.msk @!p2 $0xffff, v9  }
0x110: {  	v8 =	vld @!p2 [tilespmem:s26+$0x4FB0];
	_ =	sdelay $0x7  }
0x111: {  	[tilespmem:v8+s29+$0x0] =	vst.idx.add.f32.msk @!p2 $0xffff, v9  }
0x112: {  	v8 =	vld @!p2 [tilespmem:s26+$0x4FC0];
	_ =	sdelay $0x7  }
0x113: {  	[tilespmem:v8+s29+$0x0] =	vst.idx.add.f32.msk @!p2 $0xffff, v9  }
0x114: {  	v8 =	vld @!p2 [tilespmem:s26+$0x4FD0];
	_ =	sdelay $0x7  }
0x115: {  	[tilespmem:v8+s29+$0x0] =	vst.idx.add.f32.msk @!p2 $0xffff, v9  }
0x116: {  	v8 =	vld @!p2 [tilespmem:s26+$0x4FE0];
	_ =	sdelay $0x7  }
0x117: {  	[tilespmem:v8+s29+$0x0] =	vst.idx.add.f32.msk @!p2 $0xffff, v9  }
0x118: {  	v8 =	vld @!p2 [tilespmem:s26+$0x4FF0];
	_ =	sdelay $0x6  }
0x119: {  	p3 =	seq.s32 s23, $0x0  }
0x11a: {  	s26 =	simm.s32 @!p3 $0x6;
	[tilespmem:v8+s29+$0x0] =	vst.idx.add.f32.msk @!p2 $0xffff, v9  }
0x11b: {  	_ =	swait.ge @!p3 [sflag:s26], $0x2000  }
0x11c: {  	[sflag:s26] =	ssyncset.done @!p3 $0x0  }
0x11d: {  	[sflag:s26] =	ssyncadd.s32 @!p3 $0xFFFFE000;
	s26 =	sshra.s32 @!p3 s23, $0x2  }
0x11e: {  	s30 =	simm.s32 @!p3 $0xDF00;
	s29 =	simm.s32 @!p3 $0x80;
	s26 =	sadd.s32 @!p3 $0x100, s26  }
0x11f: {  	[tilespmem:s30], [sflag:$0x3] =	stream.indirect.gather @!p3 [hbm4b:s13+s29], $0x40, s26, s29, $0xb8;
	[tilespmem:$0x1D1D0] =	vst v63  }
0x120: {  	p3 =	sgt.u32 s24, $0x19;
	s26 =	simm.s32 $0x1;
	_ =	swait.ge [sflag:s19], $0x2000  }
0x121: {  	s26 =	simm.s32 @!p3 $0x0;
	[sflag:s19] =	ssyncset.done $0x0  }
0x122: {  	s29 =	sadd.s32 $0x5000, s25;
	p4 =	seq.s32 s28, s26;
	[sflag:s19] =	ssyncadd.s32 $0xFFFFE000  }
0x123: {  	[spmem:s2] =	stream.indirect.scatter.add.f32 [tilespmem:s14], [sflag:$0x5], $0x40, s29, s9, $0xb8;
	[tilespmem:$0x1D1D0] =	vst v63  }
0x124: {  	v8 =	vld @!p4 [tilespmem:s25+$0x5000];
	_ =	sdelay $0x6  }
0x125: {  	v9 =	vimm.f32 @!p4 $1.000000000e+00;
	s26 =	simm.s32 @!p4 $0x10700  }
0x126: {  	s28 =	sshra.s32 @!p4 s23, $0x2;
	[tilespmem:v8+s26+$0x0] =	vst.idx.add.f32.msk @!p4 $0xffff, v9  }
0x127: {  	v8 =	vld @!p4 [tilespmem:s28+$0x5010];
	_ =	sdelay $0x7  }
0x128: {  	[tilespmem:v8+s26+$0x0] =	vst.idx.add.f32.msk @!p4 $0xffff, v9  }
0x129: {  	v8 =	vld @!p4 [tilespmem:s28+$0x5020];
	_ =	sdelay $0x7  }
0x12a: {  	[tilespmem:v8+s26+$0x0] =	vst.idx.add.f32.msk @!p4 $0xffff, v9  }
0x12b: {  	v8 =	vld @!p4 [tilespmem:s28+$0x5030];
	_ =	sdelay $0x7  }
0x12c: {  	[tilespmem:v8+s26+$0x0] =	vst.idx.add.f32.msk @!p4 $0xffff, v9  }
0x12d: {  	v8 =	vld @!p4 [tilespmem:s28+$0x5040];
	_ =	sdelay $0x7  }
0x12e: {  	[tilespmem:v8+s26+$0x0] =	vst.idx.add.f32.msk @!p4 $0xffff, v9  }
0x12f: {  	v8 =	vld @!p4 [tilespmem:s28+$0x5050];
	_ =	sdelay $0x7  }
0x130: {  	[tilespmem:v8+s26+$0x0] =	vst.idx.add.f32.msk @!p4 $0xffff, v9  }
0x131: {  	v8 =	vld @!p4 [tilespmem:s28+$0x5060];
	_ =	sdelay $0x7  }
0x132: {  	[tilespmem:v8+s26+$0x0] =	vst.idx.add.f32.msk @!p4 $0xffff, v9  }
0x133: {  	v8 =	vld @!p4 [tilespmem:s28+$0x5070];
	_ =	sdelay $0x6  }
0x134: {  	p2 =	seq.s32 s23, $0x13800  }
0x135: {  	[tilespmem:v8+s26+$0x0] =	vst.idx.add.f32.msk @!p4 $0xffff, v9;
	s26 =	simm.s32 @!p2 $0x4  }
0x136: {  	_ =	swait.ge @!p2 [sflag:s26], $0x2000  }
0x137: {  	[sflag:s26] =	ssyncset.done @!p2 $0x0  }
0x138: {  	[sflag:s26] =	ssyncadd.s32 @!p2 $0xFFFFE000;
	s26 =	sshra.s32 @!p2 s23, $0x2  }
0x139: {  	s29 =	simm.s32 @!p2 $0x9F00;
	s28 =	simm.s32 @!p2 $0x80;
	s26 =	sadd.s32 @!p2 $0x180, s26  }
0x13a: {  	[tilespmem:s29], [sflag:$0x1] =	stream.indirect.gather @!p2 [hbm4b:s13+s28], $0x40, s26, s28, $0xb8;
	[tilespmem:$0x1D1D0] =	vst v63  }
0x13b: {  	_ =	swait.ge [sflag:s20], $0x2000  }
0x13c: {  	p4 =	por !p3, !p3;
	[sflag:s20] =	ssyncset.done $0x0  }
0x13d: {  	s30 =	sadd.s32 $0x5080, s25;
	p4 =	por @!p0 p3, p3;
	[sflag:s20] =	ssyncadd.s32 $0xFFFFE000  }
0x13e: {  	[spmem:s2] =	stream.indirect.scatter.add.f32 [tilespmem:s15], [sflag:$0x6], $0x40, s30, s9, $0xb8;
	[tilespmem:$0x1D1D0] =	vst v63  }
0x13f: {  	v8 =	vld @p4 [tilespmem:s25+$0x5080];
	_ =	sdelay $0x6  }
0x140: {  	v9 =	vimm.f32 @p4 $1.000000000e+00;
	s26 =	simm.s32 @p4 $0x10700  }
0x141: {  	s28 =	sshra.s32 @p4 s23, $0x2;
	[tilespmem:v8+s26+$0x0] =	vst.idx.add.f32.msk @p4 $0xffff, v9  }
0x142: {  	v8 =	vld @p4 [tilespmem:s28+$0x5090];
	_ =	sdelay $0x7  }
0x143: {  	[tilespmem:v8+s26+$0x0] =	vst.idx.add.f32.msk @p4 $0xffff, v9  }
0x144: {  	v8 =	vld @p4 [tilespmem:s28+$0x50A0];
	_ =	sdelay $0x7  }
0x145: {  	[tilespmem:v8+s26+$0x0] =	vst.idx.add.f32.msk @p4 $0xffff, v9  }
0x146: {  	v8 =	vld @p4 [tilespmem:s28+$0x50B0];
	_ =	sdelay $0x7  }
0x147: {  	[tilespmem:v8+s26+$0x0] =	vst.idx.add.f32.msk @p4 $0xffff, v9  }
0x148: {  	v8 =	vld @p4 [tilespmem:s28+$0x50C0];
	_ =	sdelay $0x7  }
0x149: {  	[tilespmem:v8+s26+$0x0] =	vst.idx.add.f32.msk @p4 $0xffff, v9  }
0x14a: {  	v8 =	vld @p4 [tilespmem:s28+$0x50D0];
	_ =	sdelay $0x7  }
0x14b: {  	[tilespmem:v8+s26+$0x0] =	vst.idx.add.f32.msk @p4 $0xffff, v9  }
0x14c: {  	v8 =	vld @p4 [tilespmem:s28+$0x50E0];
	_ =	sdelay $0x7  }
0x14d: {  	[tilespmem:v8+s26+$0x0] =	vst.idx.add.f32.msk @p4 $0xffff, v9  }
0x14e: {  	v8 =	vld @p4 [tilespmem:s28+$0x50F0];
	_ =	sdelay $0x3  }
.Ltmp5:
0x14f: {  	_ = 	snop;
	(pc) =	sbr.rel @p2 .LBB2_10-.Ltmp5, $2  }
0x150: {  	_ =	sdelay $0x2  }
0x151: {  	[tilespmem:v8+s26+$0x0] =	vst.idx.add.f32.msk @p4 $0xffff, v9  }
.Ltmp6:
0x152: {  	(pc) =	sbr.rel .LBB2_8-.Ltmp6, $4  }
0x153: {  	_ =	swait.ge [sflag:s17], $0x2000  }
0x154: {  	s25 =	sadd.s32 $0x200, s25;
	[sflag:s17] =	ssyncset.done $0x0  }
0x155: {  	s24 =	sadd.s32 $0x1, s24;
	s23 =	sadd.s32 $0x600, s23;
	[sflag:s17] =	ssyncadd.s32 $0xFFFFE000  }
0x156: {  	[tilespmem:s14], [sflag:$0x2] =	stream.indirect.gather [hbm4b:s13+s9], $0x40, s25, s9, $0xb8;
	[tilespmem:$0x1D1D0] =	vst v63  }
.LBB2_11:
0x157: {  	_ =	sfence.sel $0x180000  }
0x158: {  	[bflag:$0x0] =	sbarrier.arrive $0xFFFF  }
0x159: {  	_ =	strace $0x90000047  }
0x15a: {  	s0 =	stileid.u32;
	[bflag:$0x2] =	sbarrier.arrive $0xFFFF  }
0x15b: {  	p0 =	sne.s32 s0, $0x0;
	s0 =	rddreg [dreg:$0x4]  }
0x15c: {  	s0 =	sadd.s32 @!p0 $0x100000, s0  }
0x15d: {  	[sflag:s0] =	ssyncadd.tile.s32 @!p0 $0x1;
	_ =	shalt  }
.Lfunc_end2:
_tile_overlayer_lowered:
.L_overlay_start_2:
0x15e: {  	(tag) =	ssettag $0x2  }
0x15f: {  	s0 =	rddreg [dreg:$0x0];
	s2 =	stileid.u32  }
0x160: {  	s1 =	rddreg [dreg:$0x1];
	p0 =	sne.s32 s2, $0x0  }
0x161: {  	s3 =	rddreg [dreg:$0x2];
	[bflag:$0x3] =	sbarrier.arrive $0xFFFF;
	s2 =	simm.s32 @!p0 $0x1C07  }
0x162: {  	[timem:s3], [sflag:s2] =	dma.local @!p0 [hbm:s0], s1  }
0x163: {  	s0 =	simm.s32 @!p0 $0x7  }
0x164: {  	_ =	swait.ge @!p0 [sflag:s0], s1  }
0x165: {  	s1 =	ssub.s32 @!p0 $0x0, s1;
	[sflag:s0] =	ssyncset.done @!p0 $0x0  }
0x166: {  	[sflag:s0] =	ssyncadd.s32 @!p0 s1  }
0x167: {  	[bflag:$0x3] =	sbarrier.arrive $0xFFFF  }
0x168: {  	_ =	shalt  }

</sc_bundles>
